<compile_context>
chip_gen: v7x
topology: tpu7x:2x2x1
jax: 0.10.2.dev20260603
libtpu: 0.0.44.dev20260713+nightly
codegen_flags: <defaults>
</compile_context>

<pallas_src>
import functools

import jax
import jax.numpy as jnp
from jax import lax
from jax.experimental import pallas as pl
from jax.experimental.pallas import tpu as pltpu
import jax.experimental.pallas.tpu_sc as plsc

_N = 10000
_E = 320000
_D = 128
_NCLS = 40
_NC = 2
_NS = 16
_NW = _NC * _NS
_EPW = _E // _NW
_C = 80
_NCHUNK = _EPW // _C
_STR = 640
_NPAD = _NS * _STR

_ZCH = _STR // _C
_LC = 128
_NCH = 80
_EPAD = _NW * _NCH * _LC

_sc_mesh = plsc.VectorSubcoreMesh(core_axis_name="c", subcore_axis_name="s")


_DK = 8


def _deg_body(dst_hbm, out_hbm, dst_all, onesv, zbuf, dacc, sem):
    c = lax.axis_index("c")
    s = lax.axis_index("s")
    wid = s * _NC + c

    def fill_z(j, carry):
        zbuf[pl.ds(j * 16, 16)] = jnp.zeros((16,), jnp.float32)
        return carry

    lax.fori_loop(0, _STR // 16, fill_z, 0)

    def fill_o(j, carry):
        onesv[pl.ds(j * 16, 16)] = jnp.ones((16,), jnp.float32)
        return carry

    lax.fori_loop(0, _LC // 16, fill_o, 0)

    pltpu.sync_copy(zbuf, dacc.at[pl.ds(s * _STR, _STR)])
    pltpu.sync_copy(dst_hbm.at[wid], dst_all)
    plsc.subcore_barrier()

    def body(i, carry):
        for k in range(_DK):
            pltpu.make_async_copy(
                onesv, dacc.at[dst_all.at[i * _DK + k]], sem).start(add=True)
        for k in range(_DK):
            pltpu.make_async_copy(
                onesv, dacc.at[dst_all.at[i * _DK + k]], sem).wait()
        return carry

    lax.fori_loop(0, _NCH // _DK, body, 0)
    plsc.subcore_barrier()

    @pl.when(s == 0)
    def _():
        pltpu.sync_copy(dacc, out_hbm.at[c])


_deg_call = pl.kernel(
    _deg_body,
    out_type=jax.ShapeDtypeStruct((_NC, _NPAD), jnp.float32),
    mesh=_sc_mesh,
    scratch_types=[
        pltpu.VMEM((_NCH, _LC), jnp.int32),
        pltpu.VMEM((_LC,), jnp.float32),
        pltpu.VMEM((_STR,), jnp.float32),
        pltpu.VMEM_SHARED((_NPAD,), jnp.float32),
        pltpu.SemaphoreType.DMA,
    ],
)


def _gather_scatter_body(g_hbm, src_hbm, dst_hbm, out_hbm,
                         bufa, bufb, sxa, sxb, dxa, dxb, acc,
                         gsa, gsb, ssa, ssb, isa, isb, ida, idb):
    c = lax.axis_index("c")
    s = lax.axis_index("s")
    wid = s * _NC + c

    def fz(i, carry):
        def fz2(j, carry2):
            bufa[i, pl.ds(j * 16, 16)] = jnp.zeros((16,), jnp.float32)
            return carry2

        lax.fori_loop(0, _D // 16, fz2, 0)
        return carry

    lax.fori_loop(0, _LC, fz, 0)

    def za(k, carry):
        pltpu.sync_copy(bufa, acc.at[pl.ds(s * _STR + k * _LC, _LC)])
        return carry

    lax.fori_loop(0, _STR // _LC, za, 0)
    plsc.subcore_barrier()

    def g_desc(ch, buf, sx, sem):
        return pltpu.make_async_copy(g_hbm.at[sx], buf, sem)

    def s_desc(ch, buf, dx, sem):
        return pltpu.make_async_copy(buf, acc.at[dx], sem)

    ibase = wid * (_NCH * _LC)

    def sx_desc(ch, sx, sem):
        return pltpu.make_async_copy(src_hbm.at[pl.ds(ibase + ch * _LC, _LC)],
                                     sx, sem)

    def dx_desc(ch, dx, sem):
        return pltpu.make_async_copy(dst_hbm.at[pl.ds(ibase + ch * _LC, _LC)],
                                     dx, sem)

    sx_desc(0, sxa, isa).start()
    sx_desc(0, sxa, isa).wait()
    sx_desc(1, sxb, isb).start()
    sx_desc(1, sxb, isb).wait()
    g_desc(0, bufa, sxa, gsa).start()
    g_desc(1, bufb, sxb, gsb).start()
    dx_desc(0, dxa, ida).start()
    dx_desc(1, dxb, idb).start()

    def half(c0, c2, buf, sx, dx, gs, ss, isem, idsem):
        g_desc(c0, buf, sx, gs).wait()

        @pl.when(c2 < _NCH)
        def _():
            sx_desc(c2, sx, isem).start()

        dx_desc(c0, dx, idsem).wait()
        s_desc(c0, buf, dx, ss).start(add=True)
        s_desc(c0, buf, dx, ss).wait()

        @pl.when(c2 < _NCH)
        def _():
            sx_desc(c2, sx, isem).wait()
            g_desc(c2, buf, sx, gs).start()
            dx_desc(c2, dx, idsem).start()

    def body(j, carry):
        half(2 * j, 2 * j + 2, bufa, sxa, dxa, gsa, ssa, isa, ida)
        half(2 * j + 1, 2 * j + 3, bufb, sxb, dxb, gsb, ssb, isb, idb)
        return carry

    lax.fori_loop(0, _NCH // 2, body, 0)
    plsc.subcore_barrier()

    pltpu.sync_copy(acc.at[pl.ds(s * _STR, _STR)],
                    out_hbm.at[c, pl.ds(s * _STR, _STR)])


_gather_scatter_call = pl.kernel(
    _gather_scatter_body,
    out_type=jax.ShapeDtypeStruct((_NC, _NPAD, _D), jnp.float32),
    mesh=_sc_mesh,
    scratch_types=[
        pltpu.VMEM((_LC, _D), jnp.float32),
        pltpu.VMEM((_LC, _D), jnp.float32),
        pltpu.VMEM((_LC,), jnp.int32),
        pltpu.VMEM((_LC,), jnp.int32),
        pltpu.VMEM((_LC,), jnp.int32),
        pltpu.VMEM((_LC,), jnp.int32),
        pltpu.VMEM_SHARED((_NPAD, _D), jnp.float32),
        pltpu.SemaphoreType.DMA,
        pltpu.SemaphoreType.DMA,
        pltpu.SemaphoreType.DMA,
        pltpu.SemaphoreType.DMA,
        pltpu.SemaphoreType.DMA,
        pltpu.SemaphoreType.DMA,
        pltpu.SemaphoreType.DMA,
        pltpu.SemaphoreType.DMA,
    ],
)


_R = 400
_G = _N // _R


def _tc_first_body(x_ref, w_ref, d_ref, h_ref, g_ref, di_ref):
    deg = d_ref[0] + d_ref[1] + 1.0
    dinv = lax.rsqrt(deg)
    h = jnp.dot(x_ref[...], w_ref[...], preferred_element_type=jnp.float32)
    h_ref[...] = h
    g_ref[...] = h * dinv
    di_ref[...] = dinv


_tc_first = pl.pallas_call(
    _tc_first_body,
    grid=(_G,),
    in_specs=[
        pl.BlockSpec((_R, _D), lambda i: (i, 0)),
        pl.BlockSpec((_D, _D), lambda i: (0, 0)),
        pl.BlockSpec((_NC, _R, 1), lambda i: (0, i, 0)),
    ],
    out_specs=[
        pl.BlockSpec((_R, _D), lambda i: (i, 0)),
        pl.BlockSpec((_R, _D), lambda i: (i, 0)),
        pl.BlockSpec((_R, 1), lambda i: (i, 0)),
    ],
    out_shape=[
        jax.ShapeDtypeStruct((_N, _D), jnp.float32),
        jax.ShapeDtypeStruct((_N, _D), jnp.float32),
        jax.ShapeDtypeStruct((_N, 1), jnp.float32),
    ],
)


def _tc_mid_body(sp_ref, h_ref, di_ref, b_ref, w_ref,
                 h2_ref, g2_ref):
    di = di_ref[...]
    t = di * (sp_ref[0] + sp_ref[1]) + di * di * h_ref[...] + b_ref[...]
    t = jnp.maximum(t, 0.0)
    h2 = jnp.dot(t, w_ref[...], preferred_element_type=jnp.float32)
    h2_ref[...] = h2
    g2_ref[...] = h2 * di


_tc_mid = pl.pallas_call(
    _tc_mid_body,
    grid=(_G,),
    in_specs=[
        pl.BlockSpec((_NC, _R, _D), lambda i: (0, i, 0)),
        pl.BlockSpec((_R, _D), lambda i: (i, 0)),
        pl.BlockSpec((_R, 1), lambda i: (i, 0)),
        pl.BlockSpec((1, _D), lambda i: (0, 0)),
        pl.BlockSpec((_D, _D), lambda i: (0, 0)),
    ],
    out_specs=[
        pl.BlockSpec((_R, _D), lambda i: (i, 0)),
        pl.BlockSpec((_R, _D), lambda i: (i, 0)),
    ],
    out_shape=[
        jax.ShapeDtypeStruct((_N, _D), jnp.float32),
        jax.ShapeDtypeStruct((_N, _D), jnp.float32),
    ],
)


def _tc_last_body(sp_ref, h_ref, di_ref, b_ref, w_ref, b3_ref,
                  out_ref):
    di = di_ref[...]
    t = di * (sp_ref[0] + sp_ref[1]) + di * di * h_ref[...] + b_ref[...]
    t = jnp.maximum(t, 0.0)
    out_ref[...] = (
        jnp.dot(t, w_ref[...], preferred_element_type=jnp.float32)
        + b3_ref[...]
    )


_tc_last = pl.pallas_call(
    _tc_last_body,
    grid=(_G,),
    in_specs=[
        pl.BlockSpec((_NC, _R, _D), lambda i: (0, i, 0)),
        pl.BlockSpec((_R, _D), lambda i: (i, 0)),
        pl.BlockSpec((_R, 1), lambda i: (i, 0)),
        pl.BlockSpec((1, _D), lambda i: (0, 0)),
        pl.BlockSpec((_D, _NCLS), lambda i: (0, 0)),
        pl.BlockSpec((1, _NCLS), lambda i: (0, 0)),
    ],
    out_specs=pl.BlockSpec((_R, _NCLS), lambda i: (i, 0)),
    out_shape=jax.ShapeDtypeStruct((_N, _NCLS), jnp.float32),
)


def kernel(x, edge_index, W1, b1, W2, b2, W3, b3):
    src = edge_index[0]
    dst = edge_index[1]

    pad = _EPAD - _E
    pad_src = (jnp.arange(pad, dtype=src.dtype) * 97) % _N
    pad_dst = _N + (jnp.arange(pad, dtype=dst.dtype) % (_NPAD - _N))
    src3 = jnp.concatenate([src, pad_src])
    dst3 = jnp.concatenate([dst, pad_dst])

    deg_p = _deg_call(dst3.reshape(_NW, _NCH, _LC))

    h1, g1, dinv = _tc_first(x, W1, deg_p[:, :, None])

    acc1 = _gather_scatter_call(g1, src3, dst3)
    h2, g2 = _tc_mid(acc1, h1, dinv, b1.reshape(1, _D), W2)

    acc2 = _gather_scatter_call(g2, src3, dst3)
    return _tc_last(acc2, h2, dinv, b2.reshape(1, _D), W3,
                    b3.reshape(1, _NCLS))

# --- scband reference (transcript-rebuilt; emitter-appended) ---
"""Pipeline reference for scband-gcn-56719338111366 (READ-ONLY COPY).

The authoritative reference and input builder live on the scoring server;
editing this copy changes nothing except your own understanding.
"""

import jax, jax.numpy as jnp
import numpy as np

N = 10000
E = 320000
NFEAT = 128
NHID = 128
NCLS = 40


def setup_inputs(seed: int = 0) -> dict:
    key = jax.random.key(seed)
    ks = jax.random.split(key, 9)
    x = jax.random.normal(ks[0], (N, NFEAT), dtype=jnp.float32)
    edge_index = jax.random.randint(ks[1], (2, E), 0, N)
    s = 1.0 / np.sqrt(NFEAT)
    W1 = jax.random.uniform(ks[2], (NFEAT, NHID), jnp.float32, -s, s)
    b1 = jnp.zeros((NHID,), jnp.float32)
    s2 = 1.0 / np.sqrt(NHID)
    W2 = jax.random.uniform(ks[3], (NHID, NHID), jnp.float32, -s2, s2)
    b2 = jnp.zeros((NHID,), jnp.float32)
    W3 = jax.random.uniform(ks[4], (NHID, NCLS), jnp.float32, -s2, s2)
    b3 = jax.random.uniform(ks[5], (NCLS,), jnp.float32, -s2, s2)
    return {"x": x, "edge_index": edge_index, "W1": W1, "b1": b1,
            "W2": W2, "b2": b2, "W3": W3, "b3": b3}


def _gcn_conv(x, edge_index, W, b):
    # PyG GCNConv: add self-loops, symmetric D^-1/2 A_hat D^-1/2 normalization
    n = x.shape[0]
    loop = jnp.arange(n, dtype=edge_index.dtype)
    src = jnp.concatenate([edge_index[0], loop])
    dst = jnp.concatenate([edge_index[1], loop])
    ones = jnp.ones(src.shape[0], dtype=x.dtype)
    deg = jax.ops.segment_sum(ones, dst, num_segments=n)
    dinv = jnp.where(deg > 0, jax.lax.rsqrt(deg), 0.0)
    norm = dinv[src] * dinv[dst]
    h = x @ W
    msg = h[src] * norm[:, None]
    out = jax.ops.segment_sum(msg, dst, num_segments=n)
    return out + b


def reference(x, edge_index, W1, b1, W2, b2, W3, b3):
    h = jax.nn.relu(_gcn_conv(x, edge_index, W1, b1))
    h = jax.nn.relu(_gcn_conv(h, edge_index, W2, b2))
    return h @ W3 + b3

if __name__ == "__main__":
    import jax
    _d = setup_inputs()
    print(jax.jit(kernel)(*tuple(_d.values())))

</pallas_src>

<mosaic_0001>
#map = affine_map<(d0, d1) -> (0, 0)>
#map1 = affine_map<(d0, d1) -> (0)>
#map2 = affine_map<(d0, d1) -> (0, 0, 0)>
module attributes {stable_mosaic.version = 14 : i64} {
  func.func @_gather_scatter_body(%arg0: i32, %arg1: i32, %arg2: memref<10000x128xf32, #tpu.memory_space<hbm>>, %arg3: memref<327680xi32, #tpu.memory_space<hbm>>, %arg4: memref<327680xi32, #tpu.memory_space<hbm>>, %arg5: memref<2x10240x128xf32, #tpu.memory_space<hbm>>, %arg6: memref<128x128xf32, #tpu.memory_space<vmem>>, %arg7: memref<128x128xf32, #tpu.memory_space<vmem>>, %arg8: memref<128xi32, #tpu.memory_space<vmem>>, %arg9: memref<128xi32, #tpu.memory_space<vmem>>, %arg10: memref<128xi32, #tpu.memory_space<vmem>>, %arg11: memref<128xi32, #tpu.memory_space<vmem>>, %arg12: memref<10240x128xf32, #tpu.memory_space<vmem_shared>>, %arg13: memref<!tpu.dma_semaphore, #tpu.memory_space<semaphore_mem>>, %arg14: memref<!tpu.dma_semaphore, #tpu.memory_space<semaphore_mem>>, %arg15: memref<!tpu.dma_semaphore, #tpu.memory_space<semaphore_mem>>, %arg16: memref<!tpu.dma_semaphore, #tpu.memory_space<semaphore_mem>>, %arg17: memref<!tpu.dma_semaphore, #tpu.memory_space<semaphore_mem>>, %arg18: memref<!tpu.dma_semaphore, #tpu.memory_space<semaphore_mem>>, %arg19: memref<!tpu.dma_semaphore, #tpu.memory_space<semaphore_mem>>, %arg20: memref<!tpu.dma_semaphore, #tpu.memory_space<semaphore_mem>>) attributes {dimension_semantics = [#tpu.dimension_semantics<core_parallel>, #tpu.dimension_semantics<subcore_parallel>], iteration_bounds = array<i64: 2, 16>, scalar_prefetch = 0 : i64, scratch_operands = 15 : i64, tpu.core_type = #tpu.core_type<sc_vector_subcore>, window_params = [{transform_indices = #map}, {transform_indices = #map1}, {transform_indices = #map1}, {transform_indices = #map2}]} {
    %mul3A = arith.constant 2 : i32
    %mul3A_0 = arith.muli %arg1, %mul3A : i32
    %add3A = arith.addi %mul3A_0, %arg0 : i32
    %scan3A = arith.constant 0 : i32
    %scan3A_1 = arith.constant 0 : i32
    %scan3A_2 = arith.constant 128 : i32
    %scan3A_3 = arith.addi %scan3A_1, %scan3A_2 : i32
    %scan3A_4 = arith.constant 1 : i32
    scf.for %scan3A_53 = %scan3A_1 to %scan3A_3 step %scan3A_4  : i32 {
      %scan3A_54 = arith.constant 0 : i32
      %scan3A_55 = arith.constant 0 : i32
      %scan3A_56 = arith.constant 8 : i32
      %scan3A_57 = arith.addi %scan3A_55, %scan3A_56 : i32
      %scan3A_58 = arith.constant 1 : i32
      scf.for %scan3A_60 = %scan3A_55 to %scan3A_57 step %scan3A_58  : i32 {
        %broadcast_in_dim3A = arith.constant 0.000000e+00 : f32
        %broadcast_in_dim3A_61 = vector.broadcast %broadcast_in_dim3A : f32 to vector<16xf32>
        %mul3A_62 = arith.constant 16 : i32
        %mul3A_63 = arith.muli %scan3A_60, %mul3A_62 : i32
        %swap3A = arith.index_cast %scan3A_53 : i32 to index
        %swap3A_64 = arith.index_cast %mul3A_63 : i32 to index
        %swap3A_65 = tpu.vector_load %arg6[%swap3A, %swap3A_64] {strides = array<i32>} : memref<128x128xf32, #tpu.memory_space<vmem>>, vector<1x16xf32>,
        %swap3A_66 = vector.shape_cast %swap3A_65 : vector<1x16xf32> to vector<16xf32>
        %swap3A_67 = vector.shape_cast %broadcast_in_dim3A_61 : vector<16xf32> to vector<1x16xf32>
        tpu.vector_store %arg6[%swap3A, %swap3A_64], %swap3A_67 {strides = array<i32>} : memref<128x128xf32, #tpu.memory_space<vmem>>, vector<1x16xf32>,
      }
      %scan3A_59 = arith.constant 8 : i32
    }
    %scan3A_5 = arith.constant 128 : i32
    %scan3A_6 = arith.constant 0 : i32
    %scan3A_7 = arith.constant 0 : i32
    %scan3A_8 = arith.constant 5 : i32
    %scan3A_9 = arith.addi %scan3A_7, %scan3A_8 : i32
    %scan3A_10 = arith.constant 1 : i32
    scf.for %scan3A_53 = %scan3A_7 to %scan3A_9 step %scan3A_10  : i32 {
      %mul3A_54 = arith.constant 640 : i32
      %mul3A_55 = arith.muli %arg1, %mul3A_54 : i32
      %mul3A_56 = arith.constant 128 : i32
      %mul3A_57 = arith.muli %scan3A_53, %mul3A_56 : i32
      %add3A_58 = arith.addi %mul3A_55, %mul3A_57 : i32
      "tpu.region"() ({
        %run_scoped3A = tpu.sem_alloc : memref<!tpu.dma_semaphore, #tpu.memory_space<semaphore_mem>>
        %dma_start3A_59 = arith.constant 0 : i32
        %dma_start3A_60 = tpu.memref_slice %arg12[%add3A_58, %dma_start3A_59] : memref<10240x128xf32, #tpu.memory_space<vmem_shared>> -> memref<128x128xf32, #tpu.memory_space<vmem_shared>>
        %dma_start3A_61 = arith.constant 0 : i32
        %dma_start3A_62 = tpu.memref_slice %arg12[%add3A_58, %dma_start3A_61] : memref<10240x128xf32, #tpu.memory_space<vmem_shared>> -> memref<128x128xf32, #tpu.memory_space<vmem_shared>>
        tpu.enqueue_dma source(%arg6 : memref<128x128xf32, #tpu.memory_space<vmem>>) target(%dma_start3A_62 : memref<128x128xf32, #tpu.memory_space<vmem_shared>>) target_semaphore(%run_scoped3A : memref<!tpu.dma_semaphore, #tpu.memory_space<semaphore_mem>>)
        %dma_wait3A_63 = arith.constant 0 : i32
        %dma_wait3A_64 = tpu.memref_slice %arg12[%add3A_58, %dma_wait3A_63] : memref<10240x128xf32, #tpu.memory_space<vmem_shared>> -> memref<128x128xf32, #tpu.memory_space<vmem_shared>>
        %dma_wait3A_65 = arith.constant 0 : i32
        %dma_wait3A_66 = tpu.memref_slice %arg12[%add3A_58, %dma_wait3A_65] : memref<10240x128xf32, #tpu.memory_space<vmem_shared>> -> memref<128x128xf32, #tpu.memory_space<vmem_shared>>
        tpu.wait_dma2 semaphore(%run_scoped3A : memref<!tpu.dma_semaphore, #tpu.memory_space<semaphore_mem>>) src(%arg6 : memref<128x128xf32, #tpu.memory_space<vmem>>) dst(%dma_wait3A_66 : memref<128x128xf32, #tpu.memory_space<vmem_shared>>)
        tpu.yield
      }) : () -> ()
    }
    %scan3A_11 = arith.constant 5 : i32
    %barrier3A = arith.constant 0 : index
    tpu.barrier barrier_id(%barrier3A)
    %mul3A_12 = arith.constant 10240 : i32
    %mul3A_13 = arith.muli %add3A, %mul3A_12 : i32
    %add3A_14 = arith.constant 0 : i32
    %add3A_15 = arith.addi %mul3A_13, %add3A_14 : i32
    %dma_start3A = tpu.memref_slice %arg3[%add3A_15] : memref<327680xi32, #tpu.memory_space<hbm>> -> memref<128xi32, #tpu.memory_space<hbm>>
    %dma_start3A_16 = tpu.memref_slice %arg3[%add3A_15] : memref<327680xi32, #tpu.memory_space<hbm>> -> memref<128xi32, #tpu.memory_space<hbm>>
    tpu.enqueue_dma source(%dma_start3A_16 : memref<128xi32, #tpu.memory_space<hbm>>) target(%arg8 : memref<128xi32, #tpu.memory_space<vmem>>) target_semaphore(%arg17 : memref<!tpu.dma_semaphore, #tpu.memory_space<semaphore_mem>>)
    %add3A_17 = arith.constant 0 : i32
    %add3A_18 = arith.addi %mul3A_13, %add3A_17 : i32
    %dma_wait3A = tpu.memref_slice %arg3[%add3A_18] : memref<327680xi32, #tpu.memory_space<hbm>> -> memref<128xi32, #tpu.memory_space<hbm>>
    %dma_wait3A_19 = tpu.memref_slice %arg3[%add3A_18] : memref<327680xi32, #tpu.memory_space<hbm>> -> memref<128xi32, #tpu.memory_space<hbm>>
    tpu.wait_dma2 semaphore(%arg17 : memref<!tpu.dma_semaphore, #tpu.memory_space<semaphore_mem>>) src(%dma_wait3A_19 : memref<128xi32, #tpu.memory_space<hbm>>) dst(%arg8 : memref<128xi32, #tpu.memory_space<vmem>>)
    %add3A_20 = arith.constant 128 : i32
    %add3A_21 = arith.addi %mul3A_13, %add3A_20 : i32
    %dma_start3A_22 = tpu.memref_slice %arg3[%add3A_21] : memref<327680xi32, #tpu.memory_space<hbm>> -> memref<128xi32, #tpu.memory_space<hbm>>
    %dma_start3A_23 = tpu.memref_slice %arg3[%add3A_21] : memref<327680xi32, #tpu.memory_space<hbm>> -> memref<128xi32, #tpu.memory_space<hbm>>
    tpu.enqueue_dma source(%dma_start3A_23 : memref<128xi32, #tpu.memory_space<hbm>>) target(%arg9 : memref<128xi32, #tpu.memory_space<vmem>>) target_semaphore(%arg18 : memref<!tpu.dma_semaphore, #tpu.memory_space<semaphore_mem>>)
    %add3A_24 = arith.constant 128 : i32
    %add3A_25 = arith.addi %mul3A_13, %add3A_24 : i32
    %dma_wait3A_26 = tpu.memref_slice %arg3[%add3A_25] : memref<327680xi32, #tpu.memory_space<hbm>> -> memref<128xi32, #tpu.memory_space<hbm>>
    %dma_wait3A_27 = tpu.memref_slice %arg3[%add3A_25] : memref<327680xi32, #tpu.memory_space<hbm>> -> memref<128xi32, #tpu.memory_space<hbm>>
    tpu.wait_dma2 semaphore(%arg18 : memref<!tpu.dma_semaphore, #tpu.memory_space<semaphore_mem>>) src(%dma_wait3A_27 : memref<128xi32, #tpu.memory_space<hbm>>) dst(%arg9 : memref<128xi32, #tpu.memory_space<vmem>>)
    %dma_start3A_28 = arith.constant 0 : i32
    %dma_start3A_29 = arith.constant 0 : i32
    %dma_start3A_30 = tpu.memref_slice %arg2[%dma_start3A_28, %dma_start3A_29] : memref<10000x128xf32, #tpu.memory_space<hbm>> -> memref<10000x128xf32, #tpu.memory_space<hbm>>
    tpu.enqueue_indirect_dma source(%dma_start3A_30 : memref<10000x128xf32, #tpu.memory_space<hbm>>) target(%arg6 : memref<128x128xf32, #tpu.memory_space<vmem>>) offsets(%arg8 : memref<128xi32, #tpu.memory_space<vmem>>) semaphore(%arg13 : memref<!tpu.dma_semaphore, #tpu.memory_space<semaphore_mem>>)
    %dma_start3A_31 = arith.constant 0 : i32
    %dma_start3A_32 = arith.constant 0 : i32
    %dma_start3A_33 = tpu.memref_slice %arg2[%dma_start3A_31, %dma_start3A_32] : memref<10000x128xf32, #tpu.memory_space<hbm>> -> memref<10000x128xf32, #tpu.memory_space<hbm>>
    tpu.enqueue_indirect_dma source(%dma_start3A_33 : memref<10000x128xf32, #tpu.memory_space<hbm>>) target(%arg7 : memref<128x128xf32, #tpu.memory_space<vmem>>) offsets(%arg9 : memref<128xi32, #tpu.memory_space<vmem>>) semaphore(%arg14 : memref<!tpu.dma_semaphore, #tpu.memory_space<semaphore_mem>>)
    %add3A_34 = arith.constant 0 : i32
    %add3A_35 = arith.addi %mul3A_13, %add3A_34 : i32
    %dma_start3A_36 = tpu.memref_slice %arg4[%add3A_35] : memref<327680xi32, #tpu.memory_space<hbm>> -> memref<128xi32, #tpu.memory_space<hbm>>
    %dma_start3A_37 = tpu.memref_slice %arg4[%add3A_35] : memref<327680xi32, #tpu.memory_space<hbm>> -> memref<128xi32, #tpu.memory_space<hbm>>
    tpu.enqueue_dma source(%dma_start3A_37 : memref<128xi32, #tpu.memory_space<hbm>>) target(%arg10 : memref<128xi32, #tpu.memory_space<vmem>>) target_semaphore(%arg19 : memref<!tpu.dma_semaphore, #tpu.memory_space<semaphore_mem>>)
    %add3A_38 = arith.constant 128 : i32
    %add3A_39 = arith.addi %mul3A_13, %add3A_38 : i32
    %dma_start3A_40 = tpu.memref_slice %arg4[%add3A_39] : memref<327680xi32, #tpu.memory_space<hbm>> -> memref<128xi32, #tpu.memory_space<hbm>>
    %dma_start3A_41 = tpu.memref_slice %arg4[%add3A_39] : memref<327680xi32, #tpu.memory_space<hbm>> -> memref<128xi32, #tpu.memory_space<hbm>>
    tpu.enqueue_dma source(%dma_start3A_41 : memref<128xi32, #tpu.memory_space<hbm>>) target(%arg11 : memref<128xi32, #tpu.memory_space<vmem>>) target_semaphore(%arg20 : memref<!tpu.dma_semaphore, #tpu.memory_space<semaphore_mem>>)
    %scan3A_42 = arith.constant 0 : i32
    %scan3A_43 = arith.constant 0 : i32
    %scan3A_44 = arith.constant 40 : i32
    %scan3A_45 = arith.addi %scan3A_43, %scan3A_44 : i32
    %scan3A_46 = arith.constant 1 : i32
    scf.for %scan3A_53 = %scan3A_43 to %scan3A_45 step %scan3A_46  : i32 {
      %mul3A_54 = arith.constant 2 : i32
      %mul3A_55 = arith.muli %mul3A_54, %scan3A_53 : i32
      %mul3A_56 = arith.constant 2 : i32
      %mul3A_57 = arith.muli %mul3A_56, %scan3A_53 : i32
      %add3A_58 = arith.constant 2 : i32
      %add3A_59 = arith.addi %mul3A_57, %add3A_58 : i32
      %dma_wait3A_60 = arith.constant 0 : i32
      %dma_wait3A_61 = arith.constant 0 : i32
      %dma_wait3A_62 = tpu.memref_slice %arg2[%dma_wait3A_60, %dma_wait3A_61] : memref<10000x128xf32, #tpu.memory_space<hbm>> -> memref<10000x128xf32, #tpu.memory_space<hbm>>
      tpu.wait_indirect_dma semaphore(%arg13 : memref<!tpu.dma_semaphore, #tpu.memory_space<semaphore_mem>>) src(%dma_wait3A_62 : memref<10000x128xf32, #tpu.memory_space<hbm>>) dst(%arg6 : memref<128x128xf32, #tpu.memory_space<vmem>>)
      %lt3A = arith.constant 80 : i32
      %lt3A_63 = arith.cmpi slt, %add3A_59, %lt3A : i32
      %convert_element_type3A = arith.extui %lt3A_63 : i1 to i32
      %cond3A = arith.constant 0 : i32
      %cond3A_64 = arith.cmpi ne, %convert_element_type3A, %cond3A : i32
      scf.if %cond3A_64 {
        %mul3A_113 = arith.constant 128 : i32
        %mul3A_114 = arith.muli %add3A_59, %mul3A_113 : i32
        %add3A_115 = arith.addi %mul3A_13, %mul3A_114 : i32
        %dma_start3A_116 = tpu.memref_slice %arg3[%add3A_115] : memref<327680xi32, #tpu.memory_space<hbm>> -> memref<128xi32, #tpu.memory_space<hbm>>
        %dma_start3A_117 = tpu.memref_slice %arg3[%add3A_115] : memref<327680xi32, #tpu.memory_space<hbm>> -> memref<128xi32, #tpu.memory_space<hbm>>
        tpu.enqueue_dma source(%dma_start3A_117 : memref<128xi32, #tpu.memory_space<hbm>>) target(%arg8 : memref<128xi32, #tpu.memory_space<vmem>>) target_semaphore(%arg17 : memref<!tpu.dma_semaphore, #tpu.memory_space<semaphore_mem>>)
      } else {
      }
      %mul3A_65 = arith.constant 128 : i32
      %mul3A_66 = arith.muli %mul3A_55, %mul3A_65 : i32
      %add3A_67 = arith.addi %mul3A_13, %mul3A_66 : i32
      %dma_wait3A_68 = tpu.memref_slice %arg4[%add3A_67] : memref<327680xi32, #tpu.memory_space<hbm>> -> memref<128xi32, #tpu.memory_space<hbm>>
      %dma_wait3A_69 = tpu.memref_slice %arg4[%add3A_67] : memref<327680xi32, #tpu.memory_space<hbm>> -> memref<128xi32, #tpu.memory_space<hbm>>
      tpu.wait_dma2 semaphore(%arg19 : memref<!tpu.dma_semaphore, #tpu.memory_space<semaphore_mem>>) src(%dma_wait3A_69 : memref<128xi32, #tpu.memory_space<hbm>>) dst(%arg10 : memref<128xi32, #tpu.memory_space<vmem>>)
      %dma_start3A_70 = arith.constant 0 : i32
      %dma_start3A_71 = arith.constant 0 : i32
      %dma_start3A_72 = tpu.memref_slice %arg12[%dma_start3A_70, %dma_start3A_71] : memref<10240x128xf32, #tpu.memory_space<vmem_shared>> -> memref<10240x128xf32, #tpu.memory_space<vmem_shared>>
      tpu.enqueue_indirect_dma source(%arg6 : memref<128x128xf32, #tpu.memory_space<vmem>>) target(%dma_start3A_72 : memref<10240x128xf32, #tpu.memory_space<vmem_shared>>) offsets(%arg10 : memref<128xi32, #tpu.memory_space<vmem>>) semaphore(%arg15 : memref<!tpu.dma_semaphore, #tpu.memory_space<semaphore_mem>>) {add = true}
      %dma_wait3A_73 = arith.constant 0 : i32
      %dma_wait3A_74 = arith.constant 0 : i32
      %dma_wait3A_75 = tpu.memref_slice %arg12[%dma_wait3A_73, %dma_wait3A_74] : memref<10240x128xf32, #tpu.memory_space<vmem_shared>> -> memref<10240x128xf32, #tpu.memory_space<vmem_shared>>
      tpu.wait_indirect_dma semaphore(%arg15 : memref<!tpu.dma_semaphore, #tpu.memory_space<semaphore_mem>>) src(%arg6 : memref<128x128xf32, #tpu.memory_space<vmem>>) dst(%dma_wait3A_75 : memref<10240x128xf32, #tpu.memory_space<vmem_shared>>)
      %lt3A_76 = arith.constant 80 : i32
      %lt3A_77 = arith.cmpi slt, %add3A_59, %lt3A_76 : i32
      %convert_element_type3A_78 = arith.extui %lt3A_77 : i1 to i32
      %cond3A_79 = arith.constant 0 : i32
      %cond3A_80 = arith.cmpi ne, %convert_element_type3A_78, %cond3A_79 : i32
      scf.if %cond3A_80 {
        %mul3A_113 = arith.constant 128 : i32
        %mul3A_114 = arith.muli %add3A_59, %mul3A_113 : i32
        %add3A_115 = arith.addi %mul3A_13, %mul3A_114 : i32
        %dma_wait3A_116 = tpu.memref_slice %arg3[%add3A_115] : memref<327680xi32, #tpu.memory_space<hbm>> -> memref<128xi32, #tpu.memory_space<hbm>>
        %dma_wait3A_117 = tpu.memref_slice %arg3[%add3A_115] : memref<327680xi32, #tpu.memory_space<hbm>> -> memref<128xi32, #tpu.memory_space<hbm>>
        tpu.wait_dma2 semaphore(%arg17 : memref<!tpu.dma_semaphore, #tpu.memory_space<semaphore_mem>>) src(%dma_wait3A_117 : memref<128xi32, #tpu.memory_space<hbm>>) dst(%arg8 : memref<128xi32, #tpu.memory_space<vmem>>)
        %dma_start3A_118 = arith.constant 0 : i32
        %dma_start3A_119 = arith.constant 0 : i32
        %dma_start3A_120 = tpu.memref_slice %arg2[%dma_start3A_118, %dma_start3A_119] : memref<10000x128xf32, #tpu.memory_space<hbm>> -> memref<10000x128xf32, #tpu.memory_space<hbm>>
        tpu.enqueue_indirect_dma source(%dma_start3A_120 : memref<10000x128xf32, #tpu.memory_space<hbm>>) target(%arg6 : memref<128x128xf32, #tpu.memory_space<vmem>>) offsets(%arg8 : memref<128xi32, #tpu.memory_space<vmem>>) semaphore(%arg13 : memref<!tpu.dma_semaphore, #tpu.memory_space<semaphore_mem>>)
        %mul3A_121 = arith.constant 128 : i32
        %mul3A_122 = arith.muli %add3A_59, %mul3A_121 : i32
        %add3A_123 = arith.addi %mul3A_13, %mul3A_122 : i32
        %dma_start3A_124 = tpu.memref_slice %arg4[%add3A_123] : memref<327680xi32, #tpu.memory_space<hbm>> -> memref<128xi32, #tpu.memory_space<hbm>>
        %dma_start3A_125 = tpu.memref_slice %arg4[%add3A_123] : memref<327680xi32, #tpu.memory_space<hbm>> -> memref<128xi32, #tpu.memory_space<hbm>>
        tpu.enqueue_dma source(%dma_start3A_125 : memref<128xi32, #tpu.memory_space<hbm>>) target(%arg10 : memref<128xi32, #tpu.memory_space<vmem>>) target_semaphore(%arg19 : memref<!tpu.dma_semaphore, #tpu.memory_space<semaphore_mem>>)
      } else {
      }
      %mul3A_81 = arith.constant 2 : i32
      %mul3A_82 = arith.muli %mul3A_81, %scan3A_53 : i32
      %add3A_83 = arith.constant 1 : i32
      %add3A_84 = arith.addi %mul3A_82, %add3A_83 : i32
      %mul3A_85 = arith.constant 2 : i32
      %mul3A_86 = arith.muli %mul3A_85, %scan3A_53 : i32
      %add3A_87 = arith.constant 3 : i32
      %add3A_88 = arith.addi %mul3A_86, %add3A_87 : i32
      %dma_wait3A_89 = arith.constant 0 : i32
      %dma_wait3A_90 = arith.constant 0 : i32
      %dma_wait3A_91 = tpu.memref_slice %arg2[%dma_wait3A_89, %dma_wait3A_90] : memref<10000x128xf32, #tpu.memory_space<hbm>> -> memref<10000x128xf32, #tpu.memory_space<hbm>>
      tpu.wait_indirect_dma semaphore(%arg14 : memref<!tpu.dma_semaphore, #tpu.memory_space<semaphore_mem>>) src(%dma_wait3A_91 : memref<10000x128xf32, #tpu.memory_space<hbm>>) dst(%arg7 : memref<128x128xf32, #tpu.memory_space<vmem>>)
      %lt3A_92 = arith.constant 80 : i32
      %lt3A_93 = arith.cmpi slt, %add3A_88, %lt3A_92 : i32
      %convert_element_type3A_94 = arith.extui %lt3A_93 : i1 to i32
      %cond3A_95 = arith.constant 0 : i32
      %cond3A_96 = arith.cmpi ne, %convert_element_type3A_94, %cond3A_95 : i32
      scf.if %cond3A_96 {
        %mul3A_113 = arith.constant 128 : i32
        %mul3A_114 = arith.muli %add3A_88, %mul3A_113 : i32
        %add3A_115 = arith.addi %mul3A_13, %mul3A_114 : i32
        %dma_start3A_116 = tpu.memref_slice %arg3[%add3A_115] : memref<327680xi32, #tpu.memory_space<hbm>> -> memref<128xi32, #tpu.memory_space<hbm>>
        %dma_start3A_117 = tpu.memref_slice %arg3[%add3A_115] : memref<327680xi32, #tpu.memory_space<hbm>> -> memref<128xi32, #tpu.memory_space<hbm>>
        tpu.enqueue_dma source(%dma_start3A_117 : memref<128xi32, #tpu.memory_space<hbm>>) target(%arg9 : memref<128xi32, #tpu.memory_space<vmem>>) target_semaphore(%arg18 : memref<!tpu.dma_semaphore, #tpu.memory_space<semaphore_mem>>)
      } else {
      }
      %mul3A_97 = arith.constant 128 : i32
      %mul3A_98 = arith.muli %add3A_84, %mul3A_97 : i32
      %add3A_99 = arith.addi %mul3A_13, %mul3A_98 : i32
      %dma_wait3A_100 = tpu.memref_slice %arg4[%add3A_99] : memref<327680xi32, #tpu.memory_space<hbm>> -> memref<128xi32, #tpu.memory_space<hbm>>
      %dma_wait3A_101 = tpu.memref_slice %arg4[%add3A_99] : memref<327680xi32, #tpu.memory_space<hbm>> -> memref<128xi32, #tpu.memory_space<hbm>>
      tpu.wait_dma2 semaphore(%arg20 : memref<!tpu.dma_semaphore, #tpu.memory_space<semaphore_mem>>) src(%dma_wait3A_101 : memref<128xi32, #tpu.memory_space<hbm>>) dst(%arg11 : memref<128xi32, #tpu.memory_space<vmem>>)
      %dma_start3A_102 = arith.constant 0 : i32
      %dma_start3A_103 = arith.constant 0 : i32
      %dma_start3A_104 = tpu.memref_slice %arg12[%dma_start3A_102, %dma_start3A_103] : memref<10240x128xf32, #tpu.memory_space<vmem_shared>> -> memref<10240x128xf32, #tpu.memory_space<vmem_shared>>
      tpu.enqueue_indirect_dma source(%arg7 : memref<128x128xf32, #tpu.memory_space<vmem>>) target(%dma_start3A_104 : memref<10240x128xf32, #tpu.memory_space<vmem_shared>>) offsets(%arg11 : memref<128xi32, #tpu.memory_space<vmem>>) semaphore(%arg16 : memref<!tpu.dma_semaphore, #tpu.memory_space<semaphore_mem>>) {add = true}
      %dma_wait3A_105 = arith.constant 0 : i32
      %dma_wait3A_106 = arith.constant 0 : i32
      %dma_wait3A_107 = tpu.memref_slice %arg12[%dma_wait3A_105, %dma_wait3A_106] : memref<10240x128xf32, #tpu.memory_space<vmem_shared>> -> memref<10240x128xf32, #tpu.memory_space<vmem_shared>>
      tpu.wait_indirect_dma semaphore(%arg16 : memref<!tpu.dma_semaphore, #tpu.memory_space<semaphore_mem>>) src(%arg7 : memref<128x128xf32, #tpu.memory_space<vmem>>) dst(%dma_wait3A_107 : memref<10240x128xf32, #tpu.memory_space<vmem_shared>>)
      %lt3A_108 = arith.constant 80 : i32
      %lt3A_109 = arith.cmpi slt, %add3A_88, %lt3A_108 : i32
      %convert_element_type3A_110 = arith.extui %lt3A_109 : i1 to i32
      %cond3A_111 = arith.constant 0 : i32
      %cond3A_112 = arith.cmpi ne, %convert_element_type3A_110, %cond3A_111 : i32
      scf.if %cond3A_112 {
        %mul3A_113 = arith.constant 128 : i32
        %mul3A_114 = arith.muli %add3A_88, %mul3A_113 : i32
        %add3A_115 = arith.addi %mul3A_13, %mul3A_114 : i32
        %dma_wait3A_116 = tpu.memref_slice %arg3[%add3A_115] : memref<327680xi32, #tpu.memory_space<hbm>> -> memref<128xi32, #tpu.memory_space<hbm>>
        %dma_wait3A_117 = tpu.memref_slice %arg3[%add3A_115] : memref<327680xi32, #tpu.memory_space<hbm>> -> memref<128xi32, #tpu.memory_space<hbm>>
        tpu.wait_dma2 semaphore(%arg18 : memref<!tpu.dma_semaphore, #tpu.memory_space<semaphore_mem>>) src(%dma_wait3A_117 : memref<128xi32, #tpu.memory_space<hbm>>) dst(%arg9 : memref<128xi32, #tpu.memory_space<vmem>>)
        %dma_start3A_118 = arith.constant 0 : i32
        %dma_start3A_119 = arith.constant 0 : i32
        %dma_start3A_120 = tpu.memref_slice %arg2[%dma_start3A_118, %dma_start3A_119] : memref<10000x128xf32, #tpu.memory_space<hbm>> -> memref<10000x128xf32, #tpu.memory_space<hbm>>
        tpu.enqueue_indirect_dma source(%dma_start3A_120 : memref<10000x128xf32, #tpu.memory_space<hbm>>) target(%arg7 : memref<128x128xf32, #tpu.memory_space<vmem>>) offsets(%arg9 : memref<128xi32, #tpu.memory_space<vmem>>) semaphore(%arg14 : memref<!tpu.dma_semaphore, #tpu.memory_space<semaphore_mem>>)
        %mul3A_121 = arith.constant 128 : i32
        %mul3A_122 = arith.muli %add3A_88, %mul3A_121 : i32
        %add3A_123 = arith.addi %mul3A_13, %mul3A_122 : i32
        %dma_start3A_124 = tpu.memref_slice %arg4[%add3A_123] : memref<327680xi32, #tpu.memory_space<hbm>> -> memref<128xi32, #tpu.memory_space<hbm>>
        %dma_start3A_125 = tpu.memref_slice %arg4[%add3A_123] : memref<327680xi32, #tpu.memory_space<hbm>> -> memref<128xi32, #tpu.memory_space<hbm>>
        tpu.enqueue_dma source(%dma_start3A_125 : memref<128xi32, #tpu.memory_space<hbm>>) target(%arg11 : memref<128xi32, #tpu.memory_space<vmem>>) target_semaphore(%arg20 : memref<!tpu.dma_semaphore, #tpu.memory_space<semaphore_mem>>)
      } else {
      }
    }
    %scan3A_47 = arith.constant 40 : i32
    %barrier3A_48 = arith.constant 0 : index
    tpu.barrier barrier_id(%barrier3A_48)
    %mul3A_49 = arith.constant 640 : i32
    %mul3A_50 = arith.muli %arg1, %mul3A_49 : i32
    %mul3A_51 = arith.constant 640 : i32
    %mul3A_52 = arith.muli %arg1, %mul3A_51 : i32
    "tpu.region"() ({
      %run_scoped3A = tpu.sem_alloc : memref<!tpu.dma_semaphore, #tpu.memory_space<semaphore_mem>>
      %dma_start3A_53 = arith.constant 0 : i32
      %dma_start3A_54 = tpu.memref_slice %arg5[%arg0, %mul3A_52, %dma_start3A_53] : memref<2x10240x128xf32, #tpu.memory_space<hbm>> -> memref<1x640x128xf32, #tpu.memory_space<hbm>>
      %dma_start3A_55 = tpu.memref_squeeze %dma_start3A_54 : memref<1x640x128xf32, #tpu.memory_space<hbm>> -> memref<640x128xf32, #tpu.memory_space<hbm>>
      %dma_start3A_56 = arith.constant 0 : i32
      %dma_start3A_57 = tpu.memref_slice %arg12[%mul3A_50, %dma_start3A_56] : memref<10240x128xf32, #tpu.memory_space<vmem_shared>> -> memref<640x128xf32, #tpu.memory_space<vmem_shared>>
      tpu.enqueue_dma source(%dma_start3A_57 : memref<640x128xf32, #tpu.memory_space<vmem_shared>>) target(%dma_start3A_55 : memref<640x128xf32, #tpu.memory_space<hbm>>) target_semaphore(%run_scoped3A : memref<!tpu.dma_semaphore, #tpu.memory_space<semaphore_mem>>)
      %dma_wait3A_58 = arith.constant 0 : i32
      %dma_wait3A_59 = tpu.memref_slice %arg5[%arg0, %mul3A_52, %dma_wait3A_58] : memref<2x10240x128xf32, #tpu.memory_space<hbm>> -> memref<1x640x128xf32, #tpu.memory_space<hbm>>
      %dma_wait3A_60 = tpu.memref_squeeze %dma_wait3A_59 : memref<1x640x128xf32, #tpu.memory_space<hbm>> -> memref<640x128xf32, #tpu.memory_space<hbm>>
      %dma_wait3A_61 = arith.constant 0 : i32
      %dma_wait3A_62 = tpu.memref_slice %arg12[%mul3A_50, %dma_wait3A_61] : memref<10240x128xf32, #tpu.memory_space<vmem_shared>> -> memref<640x128xf32, #tpu.memory_space<vmem_shared>>
      tpu.wait_dma2 semaphore(%run_scoped3A : memref<!tpu.dma_semaphore, #tpu.memory_space<semaphore_mem>>) src(%dma_wait3A_62 : memref<640x128xf32, #tpu.memory_space<vmem_shared>>) dst(%dma_wait3A_60 : memref<640x128xf32, #tpu.memory_space<hbm>>)
      tpu.yield
    }) : () -> ()
    return
  }
}

#map = affine_map<(d0, d1) -> (0, 0, 0)>
#map1 = affine_map<(d0, d1) -> (0, 0)>
module attributes {stable_mosaic.version = 14 : i64} {
  func.func @_deg_body(%arg0: i32, %arg1: i32, %arg2: memref<32x80x128xi32, #tpu.memory_space<hbm>>, %arg3: memref<2x10240xf32, #tpu.memory_space<hbm>>, %arg4: memref<80x128xi32, #tpu.memory_space<vmem>>, %arg5: memref<128xf32, #tpu.memory_space<vmem>>, %arg6: memref<640xf32, #tpu.memory_space<vmem>>, %arg7: memref<10240xf32, #tpu.memory_space<vmem_shared>>, %arg8: memref<!tpu.dma_semaphore, #tpu.memory_space<semaphore_mem>>) attributes {dimension_semantics = [#tpu.dimension_semantics<core_parallel>, #tpu.dimension_semantics<subcore_parallel>], iteration_bounds = array<i64: 2, 16>, scalar_prefetch = 0 : i64, scratch_operands = 5 : i64, tpu.core_type = #tpu.core_type<sc_vector_subcore>, window_params = [{transform_indices = #map}, {transform_indices = #map1}]} {
    %mul3A = arith.constant 2 : i32
    %mul3A_0 = arith.muli %arg1, %mul3A : i32
    %add3A = arith.addi %mul3A_0, %arg0 : i32
    %scan3A = arith.constant 0 : i32
    %scan3A_1 = arith.constant 0 : i32
    %scan3A_2 = arith.constant 40 : i32
    %scan3A_3 = arith.addi %scan3A_1, %scan3A_2 : i32
    %scan3A_4 = arith.constant 1 : i32
    scf.for %scan3A_23 = %scan3A_1 to %scan3A_3 step %scan3A_4  : i32 {
      %broadcast_in_dim3A = arith.constant 0.000000e+00 : f32
      %broadcast_in_dim3A_24 = vector.broadcast %broadcast_in_dim3A : f32 to vector<16xf32>
      %mul3A_25 = arith.constant 16 : i32
      %mul3A_26 = arith.muli %scan3A_23, %mul3A_25 : i32
      %swap3A = arith.index_cast %mul3A_26 : i32 to index
      %swap3A_27 = tpu.vector_load %arg6[%swap3A] {strides = array<i32>} : memref<640xf32, #tpu.memory_space<vmem>>, vector<16xf32>,
      %swap3A_28 = vector.shape_cast %swap3A_27 : vector<16xf32> to vector<16xf32>
      %swap3A_29 = vector.shape_cast %broadcast_in_dim3A_24 : vector<16xf32> to vector<16xf32>
      tpu.vector_store %arg6[%swap3A], %swap3A_29 {strides = array<i32>} : memref<640xf32, #tpu.memory_space<vmem>>, vector<16xf32>,
    }
    %scan3A_5 = arith.constant 40 : i32
    %scan3A_6 = arith.constant 0 : i32
    %scan3A_7 = arith.constant 0 : i32
    %scan3A_8 = arith.constant 8 : i32
    %scan3A_9 = arith.addi %scan3A_7, %scan3A_8 : i32
    %scan3A_10 = arith.constant 1 : i32
    scf.for %scan3A_23 = %scan3A_7 to %scan3A_9 step %scan3A_10  : i32 {
      %broadcast_in_dim3A = arith.constant 1.000000e+00 : f32
      %broadcast_in_dim3A_24 = vector.broadcast %broadcast_in_dim3A : f32 to vector<16xf32>
      %mul3A_25 = arith.constant 16 : i32
      %mul3A_26 = arith.muli %scan3A_23, %mul3A_25 : i32
      %swap3A = arith.index_cast %mul3A_26 : i32 to index
      %swap3A_27 = tpu.vector_load %arg5[%swap3A] {strides = array<i32>} : memref<128xf32, #tpu.memory_space<vmem>>, vector<16xf32>,
      %swap3A_28 = vector.shape_cast %swap3A_27 : vector<16xf32> to vector<16xf32>
      %swap3A_29 = vector.shape_cast %broadcast_in_dim3A_24 : vector<16xf32> to vector<16xf32>
      tpu.vector_store %arg5[%swap3A], %swap3A_29 {strides = array<i32>} : memref<128xf32, #tpu.memory_space<vmem>>, vector<16xf32>,
    }
    %scan3A_11 = arith.constant 8 : i32
    %mul3A_12 = arith.constant 640 : i32
    %mul3A_13 = arith.muli %arg1, %mul3A_12 : i32
    "tpu.region"() ({
      %run_scoped3A = tpu.sem_alloc : memref<!tpu.dma_semaphore, #tpu.memory_space<semaphore_mem>>
      %dma_start3A = tpu.memref_slice %arg7[%mul3A_13] : memref<10240xf32, #tpu.memory_space<vmem_shared>> -> memref<640xf32, #tpu.memory_space<vmem_shared>>
      %dma_start3A_23 = tpu.memref_slice %arg7[%mul3A_13] : memref<10240xf32, #tpu.memory_space<vmem_shared>> -> memref<640xf32, #tpu.memory_space<vmem_shared>>
      tpu.enqueue_dma source(%arg6 : memref<640xf32, #tpu.memory_space<vmem>>) target(%dma_start3A_23 : memref<640xf32, #tpu.memory_space<vmem_shared>>) target_semaphore(%run_scoped3A : memref<!tpu.dma_semaphore, #tpu.memory_space<semaphore_mem>>)
      %dma_wait3A = tpu.memref_slice %arg7[%mul3A_13] : memref<10240xf32, #tpu.memory_space<vmem_shared>> -> memref<640xf32, #tpu.memory_space<vmem_shared>>
      %dma_wait3A_24 = tpu.memref_slice %arg7[%mul3A_13] : memref<10240xf32, #tpu.memory_space<vmem_shared>> -> memref<640xf32, #tpu.memory_space<vmem_shared>>
      tpu.wait_dma2 semaphore(%run_scoped3A : memref<!tpu.dma_semaphore, #tpu.memory_space<semaphore_mem>>) src(%arg6 : memref<640xf32, #tpu.memory_space<vmem>>) dst(%dma_wait3A_24 : memref<640xf32, #tpu.memory_space<vmem_shared>>)
      tpu.yield
    }) : () -> ()
    "tpu.region"() ({
      %run_scoped3A = tpu.sem_alloc : memref<!tpu.dma_semaphore, #tpu.memory_space<semaphore_mem>>
      %dma_start3A = arith.constant 0 : i32
      %dma_start3A_23 = arith.constant 0 : i32
      %dma_start3A_24 = tpu.memref_slice %arg2[%add3A, %dma_start3A, %dma_start3A_23] : memref<32x80x128xi32, #tpu.memory_space<hbm>> -> memref<1x80x128xi32, #tpu.memory_space<hbm>>
      %dma_start3A_25 = tpu.memref_squeeze %dma_start3A_24 : memref<1x80x128xi32, #tpu.memory_space<hbm>> -> memref<80x128xi32, #tpu.memory_space<hbm>>
      %dma_start3A_26 = arith.constant 0 : i32
      %dma_start3A_27 = arith.constant 0 : i32
      %dma_start3A_28 = tpu.memref_slice %arg2[%add3A, %dma_start3A_26, %dma_start3A_27] : memref<32x80x128xi32, #tpu.memory_space<hbm>> -> memref<1x80x128xi32, #tpu.memory_space<hbm>>
      %dma_start3A_29 = tpu.memref_squeeze %dma_start3A_28 : memref<1x80x128xi32, #tpu.memory_space<hbm>> -> memref<80x128xi32, #tpu.memory_space<hbm>>
      tpu.enqueue_dma source(%dma_start3A_29 : memref<80x128xi32, #tpu.memory_space<hbm>>) target(%arg4 : memref<80x128xi32, #tpu.memory_space<vmem>>) target_semaphore(%run_scoped3A : memref<!tpu.dma_semaphore, #tpu.memory_space<semaphore_mem>>)
      %dma_wait3A = arith.constant 0 : i32
      %dma_wait3A_30 = arith.constant 0 : i32
      %dma_wait3A_31 = tpu.memref_slice %arg2[%add3A, %dma_wait3A, %dma_wait3A_30] : memref<32x80x128xi32, #tpu.memory_space<hbm>> -> memref<1x80x128xi32, #tpu.memory_space<hbm>>
      %dma_wait3A_32 = tpu.memref_squeeze %dma_wait3A_31 : memref<1x80x128xi32, #tpu.memory_space<hbm>> -> memref<80x128xi32, #tpu.memory_space<hbm>>
      %dma_wait3A_33 = arith.constant 0 : i32
      %dma_wait3A_34 = arith.constant 0 : i32
      %dma_wait3A_35 = tpu.memref_slice %arg2[%add3A, %dma_wait3A_33, %dma_wait3A_34] : memref<32x80x128xi32, #tpu.memory_space<hbm>> -> memref<1x80x128xi32, #tpu.memory_space<hbm>>
      %dma_wait3A_36 = tpu.memref_squeeze %dma_wait3A_35 : memref<1x80x128xi32, #tpu.memory_space<hbm>> -> memref<80x128xi32, #tpu.memory_space<hbm>>
      tpu.wait_dma2 semaphore(%run_scoped3A : memref<!tpu.dma_semaphore, #tpu.memory_space<semaphore_mem>>) src(%dma_wait3A_36 : memref<80x128xi32, #tpu.memory_space<hbm>>) dst(%arg4 : memref<80x128xi32, #tpu.memory_space<vmem>>)
      tpu.yield
    }) : () -> ()
    %barrier3A = arith.constant 0 : index
    tpu.barrier barrier_id(%barrier3A)
    %scan3A_14 = arith.constant 0 : i32
    %scan3A_15 = arith.constant 0 : i32
    %scan3A_16 = arith.constant 10 : i32
    %scan3A_17 = arith.addi %scan3A_15, %scan3A_16 : i32
    %scan3A_18 = arith.constant 1 : i32
    scf.for %scan3A_23 = %scan3A_15 to %scan3A_17 step %scan3A_18  : i32 {
      %mul3A_24 = arith.constant 8 : i32
      %mul3A_25 = arith.muli %scan3A_23, %mul3A_24 : i32
      %add3A_26 = arith.constant 0 : i32
      %add3A_27 = arith.addi %mul3A_25, %add3A_26 : i32
      %dma_start3A = arith.constant 0 : i32
      %dma_start3A_28 = tpu.memref_slice %arg4[%add3A_27, %dma_start3A] : memref<80x128xi32, #tpu.memory_space<vmem>> -> memref<1x128xi32, #tpu.memory_space<vmem>>
      %dma_start3A_29 = tpu.memref_squeeze %dma_start3A_28 : memref<1x128xi32, #tpu.memory_space<vmem>> -> memref<128xi32, #tpu.memory_space<vmem>>
      %dma_start3A_30 = arith.constant 0 : i32
      %dma_start3A_31 = tpu.memref_slice %arg7[%dma_start3A_30] : memref<10240xf32, #tpu.memory_space<vmem_shared>> -> memref<10240xf32, #tpu.memory_space<vmem_shared>>
      tpu.enqueue_indirect_dma source(%arg5 : memref<128xf32, #tpu.memory_space<vmem>>) target(%dma_start3A_31 : memref<10240xf32, #tpu.memory_space<vmem_shared>>) offsets(%dma_start3A_29 : memref<128xi32, #tpu.memory_space<vmem>>) semaphore(%arg8 : memref<!tpu.dma_semaphore, #tpu.memory_space<semaphore_mem>>) {add = true}
      %mul3A_32 = arith.constant 8 : i32
      %mul3A_33 = arith.muli %scan3A_23, %mul3A_32 : i32
      %add3A_34 = arith.constant 1 : i32
      %add3A_35 = arith.addi %mul3A_33, %add3A_34 : i32
      %dma_start3A_36 = arith.constant 0 : i32
      %dma_start3A_37 = tpu.memref_slice %arg4[%add3A_35, %dma_start3A_36] : memref<80x128xi32, #tpu.memory_space<vmem>> -> memref<1x128xi32, #tpu.memory_space<vmem>>
      %dma_start3A_38 = tpu.memref_squeeze %dma_start3A_37 : memref<1x128xi32, #tpu.memory_space<vmem>> -> memref<128xi32, #tpu.memory_space<vmem>>
      %dma_start3A_39 = arith.constant 0 : i32
      %dma_start3A_40 = tpu.memref_slice %arg7[%dma_start3A_39] : memref<10240xf32, #tpu.memory_space<vmem_shared>> -> memref<10240xf32, #tpu.memory_space<vmem_shared>>
      tpu.enqueue_indirect_dma source(%arg5 : memref<128xf32, #tpu.memory_space<vmem>>) target(%dma_start3A_40 : memref<10240xf32, #tpu.memory_space<vmem_shared>>) offsets(%dma_start3A_38 : memref<128xi32, #tpu.memory_space<vmem>>) semaphore(%arg8 : memref<!tpu.dma_semaphore, #tpu.memory_space<semaphore_mem>>) {add = true}
      %mul3A_41 = arith.constant 8 : i32
      %mul3A_42 = arith.muli %scan3A_23, %mul3A_41 : i32
      %add3A_43 = arith.constant 2 : i32
      %add3A_44 = arith.addi %mul3A_42, %add3A_43 : i32
      %dma_start3A_45 = arith.constant 0 : i32
      %dma_start3A_46 = tpu.memref_slice %arg4[%add3A_44, %dma_start3A_45] : memref<80x128xi32, #tpu.memory_space<vmem>> -> memref<1x128xi32, #tpu.memory_space<vmem>>
      %dma_start3A_47 = tpu.memref_squeeze %dma_start3A_46 : memref<1x128xi32, #tpu.memory_space<vmem>> -> memref<128xi32, #tpu.memory_space<vmem>>
      %dma_start3A_48 = arith.constant 0 : i32
      %dma_start3A_49 = tpu.memref_slice %arg7[%dma_start3A_48] : memref<10240xf32, #tpu.memory_space<vmem_shared>> -> memref<10240xf32, #tpu.memory_space<vmem_shared>>
      tpu.enqueue_indirect_dma source(%arg5 : memref<128xf32, #tpu.memory_space<vmem>>) target(%dma_start3A_49 : memref<10240xf32, #tpu.memory_space<vmem_shared>>) offsets(%dma_start3A_47 : memref<128xi32, #tpu.memory_space<vmem>>) semaphore(%arg8 : memref<!tpu.dma_semaphore, #tpu.memory_space<semaphore_mem>>) {add = true}
      %mul3A_50 = arith.constant 8 : i32
      %mul3A_51 = arith.muli %scan3A_23, %mul3A_50 : i32
      %add3A_52 = arith.constant 3 : i32
      %add3A_53 = arith.addi %mul3A_51, %add3A_52 : i32
      %dma_start3A_54 = arith.constant 0 : i32
      %dma_start3A_55 = tpu.memref_slice %arg4[%add3A_53, %dma_start3A_54] : memref<80x128xi32, #tpu.memory_space<vmem>> -> memref<1x128xi32, #tpu.memory_space<vmem>>
      %dma_start3A_56 = tpu.memref_squeeze %dma_start3A_55 : memref<1x128xi32, #tpu.memory_space<vmem>> -> memref<128xi32, #tpu.memory_space<vmem>>
      %dma_start3A_57 = arith.constant 0 : i32
      %dma_start3A_58 = tpu.memref_slice %arg7[%dma_start3A_57] : memref<10240xf32, #tpu.memory_space<vmem_shared>> -> memref<10240xf32, #tpu.memory_space<vmem_shared>>
      tpu.enqueue_indirect_dma source(%arg5 : memref<128xf32, #tpu.memory_space<vmem>>) target(%dma_start3A_58 : memref<10240xf32, #tpu.memory_space<vmem_shared>>) offsets(%dma_start3A_56 : memref<128xi32, #tpu.memory_space<vmem>>) semaphore(%arg8 : memref<!tpu.dma_semaphore, #tpu.memory_space<semaphore_mem>>) {add = true}
      %mul3A_59 = arith.constant 8 : i32
      %mul3A_60 = arith.muli %scan3A_23, %mul3A_59 : i32
      %add3A_61 = arith.constant 4 : i32
      %add3A_62 = arith.addi %mul3A_60, %add3A_61 : i32
      %dma_start3A_63 = arith.constant 0 : i32
      %dma_start3A_64 = tpu.memref_slice %arg4[%add3A_62, %dma_start3A_63] : memref<80x128xi32, #tpu.memory_space<vmem>> -> memref<1x128xi32, #tpu.memory_space<vmem>>
      %dma_start3A_65 = tpu.memref_squeeze %dma_start3A_64 : memref<1x128xi32, #tpu.memory_space<vmem>> -> memref<128xi32, #tpu.memory_space<vmem>>
      %dma_start3A_66 = arith.constant 0 : i32
      %dma_start3A_67 = tpu.memref_slice %arg7[%dma_start3A_66] : memref<10240xf32, #tpu.memory_space<vmem_shared>> -> memref<10240xf32, #tpu.memory_space<vmem_shared>>
      tpu.enqueue_indirect_dma source(%arg5 : memref<128xf32, #tpu.memory_space<vmem>>) target(%dma_start3A_67 : memref<10240xf32, #tpu.memory_space<vmem_shared>>) offsets(%dma_start3A_65 : memref<128xi32, #tpu.memory_space<vmem>>) semaphore(%arg8 : memref<!tpu.dma_semaphore, #tpu.memory_space<semaphore_mem>>) {add = true}
      %mul3A_68 = arith.constant 8 : i32
      %mul3A_69 = arith.muli %scan3A_23, %mul3A_68 : i32
      %add3A_70 = arith.constant 5 : i32
      %add3A_71 = arith.addi %mul3A_69, %add3A_70 : i32
      %dma_start3A_72 = arith.constant 0 : i32
      %dma_start3A_73 = tpu.memref_slice %arg4[%add3A_71, %dma_start3A_72] : memref<80x128xi32, #tpu.memory_space<vmem>> -> memref<1x128xi32, #tpu.memory_space<vmem>>
      %dma_start3A_74 = tpu.memref_squeeze %dma_start3A_73 : memref<1x128xi32, #tpu.memory_space<vmem>> -> memref<128xi32, #tpu.memory_space<vmem>>
      %dma_start3A_75 = arith.constant 0 : i32
      %dma_start3A_76 = tpu.memref_slice %arg7[%dma_start3A_75] : memref<10240xf32, #tpu.memory_space<vmem_shared>> -> memref<10240xf32, #tpu.memory_space<vmem_shared>>
      tpu.enqueue_indirect_dma source(%arg5 : memref<128xf32, #tpu.memory_space<vmem>>) target(%dma_start3A_76 : memref<10240xf32, #tpu.memory_space<vmem_shared>>) offsets(%dma_start3A_74 : memref<128xi32, #tpu.memory_space<vmem>>) semaphore(%arg8 : memref<!tpu.dma_semaphore, #tpu.memory_space<semaphore_mem>>) {add = true}
      %mul3A_77 = arith.constant 8 : i32
      %mul3A_78 = arith.muli %scan3A_23, %mul3A_77 : i32
      %add3A_79 = arith.constant 6 : i32
      %add3A_80 = arith.addi %mul3A_78, %add3A_79 : i32
      %dma_start3A_81 = arith.constant 0 : i32
      %dma_start3A_82 = tpu.memref_slice %arg4[%add3A_80, %dma_start3A_81] : memref<80x128xi32, #tpu.memory_space<vmem>> -> memref<1x128xi32, #tpu.memory_space<vmem>>
      %dma_start3A_83 = tpu.memref_squeeze %dma_start3A_82 : memref<1x128xi32, #tpu.memory_space<vmem>> -> memref<128xi32, #tpu.memory_space<vmem>>
      %dma_start3A_84 = arith.constant 0 : i32
      %dma_start3A_85 = tpu.memref_slice %arg7[%dma_start3A_84] : memref<10240xf32, #tpu.memory_space<vmem_shared>> -> memref<10240xf32, #tpu.memory_space<vmem_shared>>
      tpu.enqueue_indirect_dma source(%arg5 : memref<128xf32, #tpu.memory_space<vmem>>) target(%dma_start3A_85 : memref<10240xf32, #tpu.memory_space<vmem_shared>>) offsets(%dma_start3A_83 : memref<128xi32, #tpu.memory_space<vmem>>) semaphore(%arg8 : memref<!tpu.dma_semaphore, #tpu.memory_space<semaphore_mem>>) {add = true}
      %mul3A_86 = arith.constant 8 : i32
      %mul3A_87 = arith.muli %scan3A_23, %mul3A_86 : i32
      %add3A_88 = arith.constant 7 : i32
      %add3A_89 = arith.addi %mul3A_87, %add3A_88 : i32
      %dma_start3A_90 = arith.constant 0 : i32
      %dma_start3A_91 = tpu.memref_slice %arg4[%add3A_89, %dma_start3A_90] : memref<80x128xi32, #tpu.memory_space<vmem>> -> memref<1x128xi32, #tpu.memory_space<vmem>>
      %dma_start3A_92 = tpu.memref_squeeze %dma_start3A_91 : memref<1x128xi32, #tpu.memory_space<vmem>> -> memref<128xi32, #tpu.memory_space<vmem>>
      %dma_start3A_93 = arith.constant 0 : i32
      %dma_start3A_94 = tpu.memref_slice %arg7[%dma_start3A_93] : memref<10240xf32, #tpu.memory_space<vmem_shared>> -> memref<10240xf32, #tpu.memory_space<vmem_shared>>
      tpu.enqueue_indirect_dma source(%arg5 : memref<128xf32, #tpu.memory_space<vmem>>) target(%dma_start3A_94 : memref<10240xf32, #tpu.memory_space<vmem_shared>>) offsets(%dma_start3A_92 : memref<128xi32, #tpu.memory_space<vmem>>) semaphore(%arg8 : memref<!tpu.dma_semaphore, #tpu.memory_space<semaphore_mem>>) {add = true}
      %mul3A_95 = arith.constant 8 : i32
      %mul3A_96 = arith.muli %scan3A_23, %mul3A_95 : i32
      %add3A_97 = arith.constant 0 : i32
      %add3A_98 = arith.addi %mul3A_96, %add3A_97 : i32
      %dma_wait3A = arith.constant 0 : i32
      %dma_wait3A_99 = tpu.memref_slice %arg4[%add3A_98, %dma_wait3A] : memref<80x128xi32, #tpu.memory_space<vmem>> -> memref<1x128xi32, #tpu.memory_space<vmem>>
      %dma_wait3A_100 = tpu.memref_squeeze %dma_wait3A_99 : memref<1x128xi32, #tpu.memory_space<vmem>> -> memref<128xi32, #tpu.memory_space<vmem>>
      %dma_wait3A_101 = arith.constant 0 : i32
      %dma_wait3A_102 = tpu.memref_slice %arg7[%dma_wait3A_101] : memref<10240xf32, #tpu.memory_space<vmem_shared>> -> memref<10240xf32, #tpu.memory_space<vmem_shared>>
      tpu.wait_indirect_dma semaphore(%arg8 : memref<!tpu.dma_semaphore, #tpu.memory_space<semaphore_mem>>) src(%arg5 : memref<128xf32, #tpu.memory_space<vmem>>) dst(%dma_wait3A_102 : memref<10240xf32, #tpu.memory_space<vmem_shared>>)
      %mul3A_103 = arith.constant 8 : i32
      %mul3A_104 = arith.muli %scan3A_23, %mul3A_103 : i32
      %add3A_105 = arith.constant 1 : i32
      %add3A_106 = arith.addi %mul3A_104, %add3A_105 : i32
      %dma_wait3A_107 = arith.constant 0 : i32
      %dma_wait3A_108 = tpu.memref_slice %arg4[%add3A_106, %dma_wait3A_107] : memref<80x128xi32, #tpu.memory_space<vmem>> -> memref<1x128xi32, #tpu.memory_space<vmem>>
      %dma_wait3A_109 = tpu.memref_squeeze %dma_wait3A_108 : memref<1x128xi32, #tpu.memory_space<vmem>> -> memref<128xi32, #tpu.memory_space<vmem>>
      %dma_wait3A_110 = arith.constant 0 : i32
      %dma_wait3A_111 = tpu.memref_slice %arg7[%dma_wait3A_110] : memref<10240xf32, #tpu.memory_space<vmem_shared>> -> memref<10240xf32, #tpu.memory_space<vmem_shared>>
      tpu.wait_indirect_dma semaphore(%arg8 : memref<!tpu.dma_semaphore, #tpu.memory_space<semaphore_mem>>) src(%arg5 : memref<128xf32, #tpu.memory_space<vmem>>) dst(%dma_wait3A_111 : memref<10240xf32, #tpu.memory_space<vmem_shared>>)
      %mul3A_112 = arith.constant 8 : i32
      %mul3A_113 = arith.muli %scan3A_23, %mul3A_112 : i32
      %add3A_114 = arith.constant 2 : i32
      %add3A_115 = arith.addi %mul3A_113, %add3A_114 : i32
      %dma_wait3A_116 = arith.constant 0 : i32
      %dma_wait3A_117 = tpu.memref_slice %arg4[%add3A_115, %dma_wait3A_116] : memref<80x128xi32, #tpu.memory_space<vmem>> -> memref<1x128xi32, #tpu.memory_space<vmem>>
      %dma_wait3A_118 = tpu.memref_squeeze %dma_wait3A_117 : memref<1x128xi32, #tpu.memory_space<vmem>> -> memref<128xi32, #tpu.memory_space<vmem>>
      %dma_wait3A_119 = arith.constant 0 : i32
      %dma_wait3A_120 = tpu.memref_slice %arg7[%dma_wait3A_119] : memref<10240xf32, #tpu.memory_space<vmem_shared>> -> memref<10240xf32, #tpu.memory_space<vmem_shared>>
      tpu.wait_indirect_dma semaphore(%arg8 : memref<!tpu.dma_semaphore, #tpu.memory_space<semaphore_mem>>) src(%arg5 : memref<128xf32, #tpu.memory_space<vmem>>) dst(%dma_wait3A_120 : memref<10240xf32, #tpu.memory_space<vmem_shared>>)
      %mul3A_121 = arith.constant 8 : i32
      %mul3A_122 = arith.muli %scan3A_23, %mul3A_121 : i32
      %add3A_123 = arith.constant 3 : i32
      %add3A_124 = arith.addi %mul3A_122, %add3A_123 : i32
      %dma_wait3A_125 = arith.constant 0 : i32
      %dma_wait3A_126 = tpu.memref_slice %arg4[%add3A_124, %dma_wait3A_125] : memref<80x128xi32, #tpu.memory_space<vmem>> -> memref<1x128xi32, #tpu.memory_space<vmem>>
      %dma_wait3A_127 = tpu.memref_squeeze %dma_wait3A_126 : memref<1x128xi32, #tpu.memory_space<vmem>> -> memref<128xi32, #tpu.memory_space<vmem>>
      %dma_wait3A_128 = arith.constant 0 : i32
      %dma_wait3A_129 = tpu.memref_slice %arg7[%dma_wait3A_128] : memref<10240xf32, #tpu.memory_space<vmem_shared>> -> memref<10240xf32, #tpu.memory_space<vmem_shared>>
      tpu.wait_indirect_dma semaphore(%arg8 : memref<!tpu.dma_semaphore, #tpu.memory_space<semaphore_mem>>) src(%arg5 : memref<128xf32, #tpu.memory_space<vmem>>) dst(%dma_wait3A_129 : memref<10240xf32, #tpu.memory_space<vmem_shared>>)
      %mul3A_130 = arith.constant 8 : i32
      %mul3A_131 = arith.muli %scan3A_23, %mul3A_130 : i32
      %add3A_132 = arith.constant 4 : i32
      %add3A_133 = arith.addi %mul3A_131, %add3A_132 : i32
      %dma_wait3A_134 = arith.constant 0 : i32
      %dma_wait3A_135 = tpu.memref_slice %arg4[%add3A_133, %dma_wait3A_134] : memref<80x128xi32, #tpu.memory_space<vmem>> -> memref<1x128xi32, #tpu.memory_space<vmem>>
      %dma_wait3A_136 = tpu.memref_squeeze %dma_wait3A_135 : memref<1x128xi32, #tpu.memory_space<vmem>> -> memref<128xi32, #tpu.memory_space<vmem>>
      %dma_wait3A_137 = arith.constant 0 : i32
      %dma_wait3A_138 = tpu.memref_slice %arg7[%dma_wait3A_137] : memref<10240xf32, #tpu.memory_space<vmem_shared>> -> memref<10240xf32, #tpu.memory_space<vmem_shared>>
      tpu.wait_indirect_dma semaphore(%arg8 : memref<!tpu.dma_semaphore, #tpu.memory_space<semaphore_mem>>) src(%arg5 : memref<128xf32, #tpu.memory_space<vmem>>) dst(%dma_wait3A_138 : memref<10240xf32, #tpu.memory_space<vmem_shared>>)
      %mul3A_139 = arith.constant 8 : i32
      %mul3A_140 = arith.muli %scan3A_23, %mul3A_139 : i32
      %add3A_141 = arith.constant 5 : i32
      %add3A_142 = arith.addi %mul3A_140, %add3A_141 : i32
      %dma_wait3A_143 = arith.constant 0 : i32
      %dma_wait3A_144 = tpu.memref_slice %arg4[%add3A_142, %dma_wait3A_143] : memref<80x128xi32, #tpu.memory_space<vmem>> -> memref<1x128xi32, #tpu.memory_space<vmem>>
      %dma_wait3A_145 = tpu.memref_squeeze %dma_wait3A_144 : memref<1x128xi32, #tpu.memory_space<vmem>> -> memref<128xi32, #tpu.memory_space<vmem>>
      %dma_wait3A_146 = arith.constant 0 : i32
      %dma_wait3A_147 = tpu.memref_slice %arg7[%dma_wait3A_146] : memref<10240xf32, #tpu.memory_space<vmem_shared>> -> memref<10240xf32, #tpu.memory_space<vmem_shared>>
      tpu.wait_indirect_dma semaphore(%arg8 : memref<!tpu.dma_semaphore, #tpu.memory_space<semaphore_mem>>) src(%arg5 : memref<128xf32, #tpu.memory_space<vmem>>) dst(%dma_wait3A_147 : memref<10240xf32, #tpu.memory_space<vmem_shared>>)
      %mul3A_148 = arith.constant 8 : i32
      %mul3A_149 = arith.muli %scan3A_23, %mul3A_148 : i32
      %add3A_150 = arith.constant 6 : i32
      %add3A_151 = arith.addi %mul3A_149, %add3A_150 : i32
      %dma_wait3A_152 = arith.constant 0 : i32
      %dma_wait3A_153 = tpu.memref_slice %arg4[%add3A_151, %dma_wait3A_152] : memref<80x128xi32, #tpu.memory_space<vmem>> -> memref<1x128xi32, #tpu.memory_space<vmem>>
      %dma_wait3A_154 = tpu.memref_squeeze %dma_wait3A_153 : memref<1x128xi32, #tpu.memory_space<vmem>> -> memref<128xi32, #tpu.memory_space<vmem>>
      %dma_wait3A_155 = arith.constant 0 : i32
      %dma_wait3A_156 = tpu.memref_slice %arg7[%dma_wait3A_155] : memref<10240xf32, #tpu.memory_space<vmem_shared>> -> memref<10240xf32, #tpu.memory_space<vmem_shared>>
      tpu.wait_indirect_dma semaphore(%arg8 : memref<!tpu.dma_semaphore, #tpu.memory_space<semaphore_mem>>) src(%arg5 : memref<128xf32, #tpu.memory_space<vmem>>) dst(%dma_wait3A_156 : memref<10240xf32, #tpu.memory_space<vmem_shared>>)
      %mul3A_157 = arith.constant 8 : i32
      %mul3A_158 = arith.muli %scan3A_23, %mul3A_157 : i32
      %add3A_159 = arith.constant 7 : i32
      %add3A_160 = arith.addi %mul3A_158, %add3A_159 : i32
      %dma_wait3A_161 = arith.constant 0 : i32
      %dma_wait3A_162 = tpu.memref_slice %arg4[%add3A_160, %dma_wait3A_161] : memref<80x128xi32, #tpu.memory_space<vmem>> -> memref<1x128xi32, #tpu.memory_space<vmem>>
      %dma_wait3A_163 = tpu.memref_squeeze %dma_wait3A_162 : memref<1x128xi32, #tpu.memory_space<vmem>> -> memref<128xi32, #tpu.memory_space<vmem>>
      %dma_wait3A_164 = arith.constant 0 : i32
      %dma_wait3A_165 = tpu.memref_slice %arg7[%dma_wait3A_164] : memref<10240xf32, #tpu.memory_space<vmem_shared>> -> memref<10240xf32, #tpu.memory_space<vmem_shared>>
      tpu.wait_indirect_dma semaphore(%arg8 : memref<!tpu.dma_semaphore, #tpu.memory_space<semaphore_mem>>) src(%arg5 : memref<128xf32, #tpu.memory_space<vmem>>) dst(%dma_wait3A_165 : memref<10240xf32, #tpu.memory_space<vmem_shared>>)
    }
    %scan3A_19 = arith.constant 10 : i32
    %barrier3A_20 = arith.constant 0 : index
    tpu.barrier barrier_id(%barrier3A_20)
    %eq3A = arith.constant 0 : i32
    %eq3A_21 = arith.cmpi eq, %arg1, %eq3A : i32
    %convert_element_type3A = arith.extui %eq3A_21 : i1 to i32
    %cond3A = arith.constant 0 : i32
    %cond3A_22 = arith.cmpi ne, %convert_element_type3A, %cond3A : i32
    scf.if %cond3A_22 {
      "tpu.region"() ({
        %run_scoped3A = tpu.sem_alloc : memref<!tpu.dma_semaphore, #tpu.memory_space<semaphore_mem>>
        %dma_start3A = arith.constant 0 : i32
        %dma_start3A_23 = tpu.memref_slice %arg3[%arg0, %dma_start3A] : memref<2x10240xf32, #tpu.memory_space<hbm>> -> memref<1x10240xf32, #tpu.memory_space<hbm>>
        %dma_start3A_24 = tpu.memref_squeeze %dma_start3A_23 : memref<1x10240xf32, #tpu.memory_space<hbm>> -> memref<10240xf32, #tpu.memory_space<hbm>>
        tpu.enqueue_dma source(%arg7 : memref<10240xf32, #tpu.memory_space<vmem_shared>>) target(%dma_start3A_24 : memref<10240xf32, #tpu.memory_space<hbm>>) target_semaphore(%run_scoped3A : memref<!tpu.dma_semaphore, #tpu.memory_space<semaphore_mem>>)
        %dma_wait3A = arith.constant 0 : i32
        %dma_wait3A_25 = tpu.memref_slice %arg3[%arg0, %dma_wait3A] : memref<2x10240xf32, #tpu.memory_space<hbm>> -> memref<1x10240xf32, #tpu.memory_space<hbm>>
        %dma_wait3A_26 = tpu.memref_squeeze %dma_wait3A_25 : memref<1x10240xf32, #tpu.memory_space<hbm>> -> memref<10240xf32, #tpu.memory_space<hbm>>
        tpu.wait_dma2 semaphore(%run_scoped3A : memref<!tpu.dma_semaphore, #tpu.memory_space<semaphore_mem>>) src(%arg7 : memref<10240xf32, #tpu.memory_space<vmem_shared>>) dst(%dma_wait3A_26 : memref<10240xf32, #tpu.memory_space<hbm>>)
        tpu.yield
      }) : () -> ()
    } else {
    }
    return
  }
}

#map = affine_map<(d0, d1) -> (0, 0)>
#map1 = affine_map<(d0, d1) -> (0)>
#map2 = affine_map<(d0, d1) -> (0, 0, 0)>
module attributes {stable_mosaic.version = 14 : i64} {
  func.func @_gather_scatter_body(%arg0: i32, %arg1: i32, %arg2: memref<10000x128xf32, #tpu.memory_space<hbm>>, %arg3: memref<327680xi32, #tpu.memory_space<hbm>>, %arg4: memref<327680xi32, #tpu.memory_space<hbm>>, %arg5: memref<2x10240x128xf32, #tpu.memory_space<hbm>>, %arg6: memref<128x128xf32, #tpu.memory_space<vmem>>, %arg7: memref<128x128xf32, #tpu.memory_space<vmem>>, %arg8: memref<128xi32, #tpu.memory_space<vmem>>, %arg9: memref<128xi32, #tpu.memory_space<vmem>>, %arg10: memref<128xi32, #tpu.memory_space<vmem>>, %arg11: memref<128xi32, #tpu.memory_space<vmem>>, %arg12: memref<10240x128xf32, #tpu.memory_space<vmem_shared>>, %arg13: memref<!tpu.dma_semaphore, #tpu.memory_space<semaphore_mem>>, %arg14: memref<!tpu.dma_semaphore, #tpu.memory_space<semaphore_mem>>, %arg15: memref<!tpu.dma_semaphore, #tpu.memory_space<semaphore_mem>>, %arg16: memref<!tpu.dma_semaphore, #tpu.memory_space<semaphore_mem>>, %arg17: memref<!tpu.dma_semaphore, #tpu.memory_space<semaphore_mem>>, %arg18: memref<!tpu.dma_semaphore, #tpu.memory_space<semaphore_mem>>, %arg19: memref<!tpu.dma_semaphore, #tpu.memory_space<semaphore_mem>>, %arg20: memref<!tpu.dma_semaphore, #tpu.memory_space<semaphore_mem>>) attributes {dimension_semantics = [#tpu.dimension_semantics<core_parallel>, #tpu.dimension_semantics<subcore_parallel>], iteration_bounds = array<i64: 2, 16>, scalar_prefetch = 0 : i64, scratch_operands = 15 : i64, tpu.core_type = #tpu.core_type<sc_vector_subcore>, window_params = [{transform_indices = #map}, {transform_indices = #map1}, {transform_indices = #map1}, {transform_indices = #map2}]} {
    %mul3A = arith.constant 2 : i32
    %mul3A_0 = arith.muli %arg1, %mul3A : i32
    %add3A = arith.addi %mul3A_0, %arg0 : i32
    %scan3A = arith.constant 0 : i32
    %scan3A_1 = arith.constant 0 : i32
    %scan3A_2 = arith.constant 128 : i32
    %scan3A_3 = arith.addi %scan3A_1, %scan3A_2 : i32
    %scan3A_4 = arith.constant 1 : i32
    scf.for %scan3A_53 = %scan3A_1 to %scan3A_3 step %scan3A_4  : i32 {
      %scan3A_54 = arith.constant 0 : i32
      %scan3A_55 = arith.constant 0 : i32
      %scan3A_56 = arith.constant 8 : i32
      %scan3A_57 = arith.addi %scan3A_55, %scan3A_56 : i32
      %scan3A_58 = arith.constant 1 : i32
      scf.for %scan3A_60 = %scan3A_55 to %scan3A_57 step %scan3A_58  : i32 {
        %broadcast_in_dim3A = arith.constant 0.000000e+00 : f32
        %broadcast_in_dim3A_61 = vector.broadcast %broadcast_in_dim3A : f32 to vector<16xf32>
        %mul3A_62 = arith.constant 16 : i32
        %mul3A_63 = arith.muli %scan3A_60, %mul3A_62 : i32
        %swap3A = arith.index_cast %scan3A_53 : i32 to index
        %swap3A_64 = arith.index_cast %mul3A_63 : i32 to index
        %swap3A_65 = tpu.vector_load %arg6[%swap3A, %swap3A_64] {strides = array<i32>} : memref<128x128xf32, #tpu.memory_space<vmem>>, vector<1x16xf32>,
        %swap3A_66 = vector.shape_cast %swap3A_65 : vector<1x16xf32> to vector<16xf32>
        %swap3A_67 = vector.shape_cast %broadcast_in_dim3A_61 : vector<16xf32> to vector<1x16xf32>
        tpu.vector_store %arg6[%swap3A, %swap3A_64], %swap3A_67 {strides = array<i32>} : memref<128x128xf32, #tpu.memory_space<vmem>>, vector<1x16xf32>,
      }
      %scan3A_59 = arith.constant 8 : i32
    }
    %scan3A_5 = arith.constant 128 : i32
    %scan3A_6 = arith.constant 0 : i32
    %scan3A_7 = arith.constant 0 : i32
    %scan3A_8 = arith.constant 5 : i32
    %scan3A_9 = arith.addi %scan3A_7, %scan3A_8 : i32
    %scan3A_10 = arith.constant 1 : i32
    scf.for %scan3A_53 = %scan3A_7 to %scan3A_9 step %scan3A_10  : i32 {
      %mul3A_54 = arith.constant 640 : i32
      %mul3A_55 = arith.muli %arg1, %mul3A_54 : i32
      %mul3A_56 = arith.constant 128 : i32
      %mul3A_57 = arith.muli %scan3A_53, %mul3A_56 : i32
      %add3A_58 = arith.addi %mul3A_55, %mul3A_57 : i32
      "tpu.region"() ({
        %run_scoped3A = tpu.sem_alloc : memref<!tpu.dma_semaphore, #tpu.memory_space<semaphore_mem>>
        %dma_start3A_59 = arith.constant 0 : i32
        %dma_start3A_60 = tpu.memref_slice %arg12[%add3A_58, %dma_start3A_59] : memref<10240x128xf32, #tpu.memory_space<vmem_shared>> -> memref<128x128xf32, #tpu.memory_space<vmem_shared>>
        %dma_start3A_61 = arith.constant 0 : i32
        %dma_start3A_62 = tpu.memref_slice %arg12[%add3A_58, %dma_start3A_61] : memref<10240x128xf32, #tpu.memory_space<vmem_shared>> -> memref<128x128xf32, #tpu.memory_space<vmem_shared>>
        tpu.enqueue_dma source(%arg6 : memref<128x128xf32, #tpu.memory_space<vmem>>) target(%dma_start3A_62 : memref<128x128xf32, #tpu.memory_space<vmem_shared>>) target_semaphore(%run_scoped3A : memref<!tpu.dma_semaphore, #tpu.memory_space<semaphore_mem>>)
        %dma_wait3A_63 = arith.constant 0 : i32
        %dma_wait3A_64 = tpu.memref_slice %arg12[%add3A_58, %dma_wait3A_63] : memref<10240x128xf32, #tpu.memory_space<vmem_shared>> -> memref<128x128xf32, #tpu.memory_space<vmem_shared>>
        %dma_wait3A_65 = arith.constant 0 : i32
        %dma_wait3A_66 = tpu.memref_slice %arg12[%add3A_58, %dma_wait3A_65] : memref<10240x128xf32, #tpu.memory_space<vmem_shared>> -> memref<128x128xf32, #tpu.memory_space<vmem_shared>>
        tpu.wait_dma2 semaphore(%run_scoped3A : memref<!tpu.dma_semaphore, #tpu.memory_space<semaphore_mem>>) src(%arg6 : memref<128x128xf32, #tpu.memory_space<vmem>>) dst(%dma_wait3A_66 : memref<128x128xf32, #tpu.memory_space<vmem_shared>>)
        tpu.yield
      }) : () -> ()
    }
    %scan3A_11 = arith.constant 5 : i32
    %barrier3A = arith.constant 0 : index
    tpu.barrier barrier_id(%barrier3A)
    %mul3A_12 = arith.constant 10240 : i32
    %mul3A_13 = arith.muli %add3A, %mul3A_12 : i32
    %add3A_14 = arith.constant 0 : i32
    %add3A_15 = arith.addi %mul3A_13, %add3A_14 : i32
    %dma_start3A = tpu.memref_slice %arg3[%add3A_15] : memref<327680xi32, #tpu.memory_space<hbm>> -> memref<128xi32, #tpu.memory_space<hbm>>
    %dma_start3A_16 = tpu.memref_slice %arg3[%add3A_15] : memref<327680xi32, #tpu.memory_space<hbm>> -> memref<128xi32, #tpu.memory_space<hbm>>
    tpu.enqueue_dma source(%dma_start3A_16 : memref<128xi32, #tpu.memory_space<hbm>>) target(%arg8 : memref<128xi32, #tpu.memory_space<vmem>>) target_semaphore(%arg17 : memref<!tpu.dma_semaphore, #tpu.memory_space<semaphore_mem>>)
    %add3A_17 = arith.constant 0 : i32
    %add3A_18 = arith.addi %mul3A_13, %add3A_17 : i32
    %dma_wait3A = tpu.memref_slice %arg3[%add3A_18] : memref<327680xi32, #tpu.memory_space<hbm>> -> memref<128xi32, #tpu.memory_space<hbm>>
    %dma_wait3A_19 = tpu.memref_slice %arg3[%add3A_18] : memref<327680xi32, #tpu.memory_space<hbm>> -> memref<128xi32, #tpu.memory_space<hbm>>
    tpu.wait_dma2 semaphore(%arg17 : memref<!tpu.dma_semaphore, #tpu.memory_space<semaphore_mem>>) src(%dma_wait3A_19 : memref<128xi32, #tpu.memory_space<hbm>>) dst(%arg8 : memref<128xi32, #tpu.memory_space<vmem>>)
    %add3A_20 = arith.constant 128 : i32
    %add3A_21 = arith.addi %mul3A_13, %add3A_20 : i32
    %dma_start3A_22 = tpu.memref_slice %arg3[%add3A_21] : memref<327680xi32, #tpu.memory_space<hbm>> -> memref<128xi32, #tpu.memory_space<hbm>>
    %dma_start3A_23 = tpu.memref_slice %arg3[%add3A_21] : memref<327680xi32, #tpu.memory_space<hbm>> -> memref<128xi32, #tpu.memory_space<hbm>>
    tpu.enqueue_dma source(%dma_start3A_23 : memref<128xi32, #tpu.memory_space<hbm>>) target(%arg9 : memref<128xi32, #tpu.memory_space<vmem>>) target_semaphore(%arg18 : memref<!tpu.dma_semaphore, #tpu.memory_space<semaphore_mem>>)
    %add3A_24 = arith.constant 128 : i32
    %add3A_25 = arith.addi %mul3A_13, %add3A_24 : i32
    %dma_wait3A_26 = tpu.memref_slice %arg3[%add3A_25] : memref<327680xi32, #tpu.memory_space<hbm>> -> memref<128xi32, #tpu.memory_space<hbm>>
    %dma_wait3A_27 = tpu.memref_slice %arg3[%add3A_25] : memref<327680xi32, #tpu.memory_space<hbm>> -> memref<128xi32, #tpu.memory_space<hbm>>
    tpu.wait_dma2 semaphore(%arg18 : memref<!tpu.dma_semaphore, #tpu.memory_space<semaphore_mem>>) src(%dma_wait3A_27 : memref<128xi32, #tpu.memory_space<hbm>>) dst(%arg9 : memref<128xi32, #tpu.memory_space<vmem>>)
    %dma_start3A_28 = arith.constant 0 : i32
    %dma_start3A_29 = arith.constant 0 : i32
    %dma_start3A_30 = tpu.memref_slice %arg2[%dma_start3A_28, %dma_start3A_29] : memref<10000x128xf32, #tpu.memory_space<hbm>> -> memref<10000x128xf32, #tpu.memory_space<hbm>>
    tpu.enqueue_indirect_dma source(%dma_start3A_30 : memref<10000x128xf32, #tpu.memory_space<hbm>>) target(%arg6 : memref<128x128xf32, #tpu.memory_space<vmem>>) offsets(%arg8 : memref<128xi32, #tpu.memory_space<vmem>>) semaphore(%arg13 : memref<!tpu.dma_semaphore, #tpu.memory_space<semaphore_mem>>)
    %dma_start3A_31 = arith.constant 0 : i32
    %dma_start3A_32 = arith.constant 0 : i32
    %dma_start3A_33 = tpu.memref_slice %arg2[%dma_start3A_31, %dma_start3A_32] : memref<10000x128xf32, #tpu.memory_space<hbm>> -> memref<10000x128xf32, #tpu.memory_space<hbm>>
    tpu.enqueue_indirect_dma source(%dma_start3A_33 : memref<10000x128xf32, #tpu.memory_space<hbm>>) target(%arg7 : memref<128x128xf32, #tpu.memory_space<vmem>>) offsets(%arg9 : memref<128xi32, #tpu.memory_space<vmem>>) semaphore(%arg14 : memref<!tpu.dma_semaphore, #tpu.memory_space<semaphore_mem>>)
    %add3A_34 = arith.constant 0 : i32
    %add3A_35 = arith.addi %mul3A_13, %add3A_34 : i32
    %dma_start3A_36 = tpu.memref_slice %arg4[%add3A_35] : memref<327680xi32, #tpu.memory_space<hbm>> -> memref<128xi32, #tpu.memory_space<hbm>>
    %dma_start3A_37 = tpu.memref_slice %arg4[%add3A_35] : memref<327680xi32, #tpu.memory_space<hbm>> -> memref<128xi32, #tpu.memory_space<hbm>>
    tpu.enqueue_dma source(%dma_start3A_37 : memref<128xi32, #tpu.memory_space<hbm>>) target(%arg10 : memref<128xi32, #tpu.memory_space<vmem>>) target_semaphore(%arg19 : memref<!tpu.dma_semaphore, #tpu.memory_space<semaphore_mem>>)
    %add3A_38 = arith.constant 128 : i32
    %add3A_39 = arith.addi %mul3A_13, %add3A_38 : i32
    %dma_start3A_40 = tpu.memref_slice %arg4[%add3A_39] : memref<327680xi32, #tpu.memory_space<hbm>> -> memref<128xi32, #tpu.memory_space<hbm>>
    %dma_start3A_41 = tpu.memref_slice %arg4[%add3A_39] : memref<327680xi32, #tpu.memory_space<hbm>> -> memref<128xi32, #tpu.memory_space<hbm>>
    tpu.enqueue_dma source(%dma_start3A_41 : memref<128xi32, #tpu.memory_space<hbm>>) target(%arg11 : memref<128xi32, #tpu.memory_space<vmem>>) target_semaphore(%arg20 : memref<!tpu.dma_semaphore, #tpu.memory_space<semaphore_mem>>)
    %scan3A_42 = arith.constant 0 : i32
    %scan3A_43 = arith.constant 0 : i32
    %scan3A_44 = arith.constant 40 : i32
    %scan3A_45 = arith.addi %scan3A_43, %scan3A_44 : i32
    %scan3A_46 = arith.constant 1 : i32
    scf.for %scan3A_53 = %scan3A_43 to %scan3A_45 step %scan3A_46  : i32 {
      %mul3A_54 = arith.constant 2 : i32
      %mul3A_55 = arith.muli %mul3A_54, %scan3A_53 : i32
      %mul3A_56 = arith.constant 2 : i32
      %mul3A_57 = arith.muli %mul3A_56, %scan3A_53 : i32
      %add3A_58 = arith.constant 2 : i32
      %add3A_59 = arith.addi %mul3A_57, %add3A_58 : i32
      %dma_wait3A_60 = arith.constant 0 : i32
      %dma_wait3A_61 = arith.constant 0 : i32
      %dma_wait3A_62 = tpu.memref_slice %arg2[%dma_wait3A_60, %dma_wait3A_61] : memref<10000x128xf32, #tpu.memory_space<hbm>> -> memref<10000x128xf32, #tpu.memory_space<hbm>>
      tpu.wait_indirect_dma semaphore(%arg13 : memref<!tpu.dma_semaphore, #tpu.memory_space<semaphore_mem>>) src(%dma_wait3A_62 : memref<10000x128xf32, #tpu.memory_space<hbm>>) dst(%arg6 : memref<128x128xf32, #tpu.memory_space<vmem>>)
      %lt3A = arith.constant 80 : i32
      %lt3A_63 = arith.cmpi slt, %add3A_59, %lt3A : i32
      %convert_element_type3A = arith.extui %lt3A_63 : i1 to i32
      %cond3A = arith.constant 0 : i32
      %cond3A_64 = arith.cmpi ne, %convert_element_type3A, %cond3A : i32
      scf.if %cond3A_64 {
        %mul3A_113 = arith.constant 128 : i32
        %mul3A_114 = arith.muli %add3A_59, %mul3A_113 : i32
        %add3A_115 = arith.addi %mul3A_13, %mul3A_114 : i32
        %dma_start3A_116 = tpu.memref_slice %arg3[%add3A_115] : memref<327680xi32, #tpu.memory_space<hbm>> -> memref<128xi32, #tpu.memory_space<hbm>>
        %dma_start3A_117 = tpu.memref_slice %arg3[%add3A_115] : memref<327680xi32, #tpu.memory_space<hbm>> -> memref<128xi32, #tpu.memory_space<hbm>>
        tpu.enqueue_dma source(%dma_start3A_117 : memref<128xi32, #tpu.memory_space<hbm>>) target(%arg8 : memref<128xi32, #tpu.memory_space<vmem>>) target_semaphore(%arg17 : memref<!tpu.dma_semaphore, #tpu.memory_space<semaphore_mem>>)
      } else {
      }
      %mul3A_65 = arith.constant 128 : i32
      %mul3A_66 = arith.muli %mul3A_55, %mul3A_65 : i32
      %add3A_67 = arith.addi %mul3A_13, %mul3A_66 : i32
      %dma_wait3A_68 = tpu.memref_slice %arg4[%add3A_67] : memref<327680xi32, #tpu.memory_space<hbm>> -> memref<128xi32, #tpu.memory_space<hbm>>
      %dma_wait3A_69 = tpu.memref_slice %arg4[%add3A_67] : memref<327680xi32, #tpu.memory_space<hbm>> -> memref<128xi32, #tpu.memory_space<hbm>>
      tpu.wait_dma2 semaphore(%arg19 : memref<!tpu.dma_semaphore, #tpu.memory_space<semaphore_mem>>) src(%dma_wait3A_69 : memref<128xi32, #tpu.memory_space<hbm>>) dst(%arg10 : memref<128xi32, #tpu.memory_space<vmem>>)
      %dma_start3A_70 = arith.constant 0 : i32
      %dma_start3A_71 = arith.constant 0 : i32
      %dma_start3A_72 = tpu.memref_slice %arg12[%dma_start3A_70, %dma_start3A_71] : memref<10240x128xf32, #tpu.memory_space<vmem_shared>> -> memref<10240x128xf32, #tpu.memory_space<vmem_shared>>
      tpu.enqueue_indirect_dma source(%arg6 : memref<128x128xf32, #tpu.memory_space<vmem>>) target(%dma_start3A_72 : memref<10240x128xf32, #tpu.memory_space<vmem_shared>>) offsets(%arg10 : memref<128xi32, #tpu.memory_space<vmem>>) semaphore(%arg15 : memref<!tpu.dma_semaphore, #tpu.memory_space<semaphore_mem>>) {add = true}
      %dma_wait3A_73 = arith.constant 0 : i32
      %dma_wait3A_74 = arith.constant 0 : i32
      %dma_wait3A_75 = tpu.memref_slice %arg12[%dma_wait3A_73, %dma_wait3A_74] : memref<10240x128xf32, #tpu.memory_space<vmem_shared>> -> memref<10240x128xf32, #tpu.memory_space<vmem_shared>>
      tpu.wait_indirect_dma semaphore(%arg15 : memref<!tpu.dma_semaphore, #tpu.memory_space<semaphore_mem>>) src(%arg6 : memref<128x128xf32, #tpu.memory_space<vmem>>) dst(%dma_wait3A_75 : memref<10240x128xf32, #tpu.memory_space<vmem_shared>>)
      %lt3A_76 = arith.constant 80 : i32
      %lt3A_77 = arith.cmpi slt, %add3A_59, %lt3A_76 : i32
      %convert_element_type3A_78 = arith.extui %lt3A_77 : i1 to i32
      %cond3A_79 = arith.constant 0 : i32
      %cond3A_80 = arith.cmpi ne, %convert_element_type3A_78, %cond3A_79 : i32
      scf.if %cond3A_80 {
        %mul3A_113 = arith.constant 128 : i32
        %mul3A_114 = arith.muli %add3A_59, %mul3A_113 : i32
        %add3A_115 = arith.addi %mul3A_13, %mul3A_114 : i32
        %dma_wait3A_116 = tpu.memref_slice %arg3[%add3A_115] : memref<327680xi32, #tpu.memory_space<hbm>> -> memref<128xi32, #tpu.memory_space<hbm>>
        %dma_wait3A_117 = tpu.memref_slice %arg3[%add3A_115] : memref<327680xi32, #tpu.memory_space<hbm>> -> memref<128xi32, #tpu.memory_space<hbm>>
        tpu.wait_dma2 semaphore(%arg17 : memref<!tpu.dma_semaphore, #tpu.memory_space<semaphore_mem>>) src(%dma_wait3A_117 : memref<128xi32, #tpu.memory_space<hbm>>) dst(%arg8 : memref<128xi32, #tpu.memory_space<vmem>>)
        %dma_start3A_118 = arith.constant 0 : i32
        %dma_start3A_119 = arith.constant 0 : i32
        %dma_start3A_120 = tpu.memref_slice %arg2[%dma_start3A_118, %dma_start3A_119] : memref<10000x128xf32, #tpu.memory_space<hbm>> -> memref<10000x128xf32, #tpu.memory_space<hbm>>
        tpu.enqueue_indirect_dma source(%dma_start3A_120 : memref<10000x128xf32, #tpu.memory_space<hbm>>) target(%arg6 : memref<128x128xf32, #tpu.memory_space<vmem>>) offsets(%arg8 : memref<128xi32, #tpu.memory_space<vmem>>) semaphore(%arg13 : memref<!tpu.dma_semaphore, #tpu.memory_space<semaphore_mem>>)
        %mul3A_121 = arith.constant 128 : i32
        %mul3A_122 = arith.muli %add3A_59, %mul3A_121 : i32
        %add3A_123 = arith.addi %mul3A_13, %mul3A_122 : i32
        %dma_start3A_124 = tpu.memref_slice %arg4[%add3A_123] : memref<327680xi32, #tpu.memory_space<hbm>> -> memref<128xi32, #tpu.memory_space<hbm>>
        %dma_start3A_125 = tpu.memref_slice %arg4[%add3A_123] : memref<327680xi32, #tpu.memory_space<hbm>> -> memref<128xi32, #tpu.memory_space<hbm>>
        tpu.enqueue_dma source(%dma_start3A_125 : memref<128xi32, #tpu.memory_space<hbm>>) target(%arg10 : memref<128xi32, #tpu.memory_space<vmem>>) target_semaphore(%arg19 : memref<!tpu.dma_semaphore, #tpu.memory_space<semaphore_mem>>)
      } else {
      }
      %mul3A_81 = arith.constant 2 : i32
      %mul3A_82 = arith.muli %mul3A_81, %scan3A_53 : i32
      %add3A_83 = arith.constant 1 : i32
      %add3A_84 = arith.addi %mul3A_82, %add3A_83 : i32
      %mul3A_85 = arith.constant 2 : i32
      %mul3A_86 = arith.muli %mul3A_85, %scan3A_53 : i32
      %add3A_87 = arith.constant 3 : i32
      %add3A_88 = arith.addi %mul3A_86, %add3A_87 : i32
      %dma_wait3A_89 = arith.constant 0 : i32
      %dma_wait3A_90 = arith.constant 0 : i32
      %dma_wait3A_91 = tpu.memref_slice %arg2[%dma_wait3A_89, %dma_wait3A_90] : memref<10000x128xf32, #tpu.memory_space<hbm>> -> memref<10000x128xf32, #tpu.memory_space<hbm>>
      tpu.wait_indirect_dma semaphore(%arg14 : memref<!tpu.dma_semaphore, #tpu.memory_space<semaphore_mem>>) src(%dma_wait3A_91 : memref<10000x128xf32, #tpu.memory_space<hbm>>) dst(%arg7 : memref<128x128xf32, #tpu.memory_space<vmem>>)
      %lt3A_92 = arith.constant 80 : i32
      %lt3A_93 = arith.cmpi slt, %add3A_88, %lt3A_92 : i32
      %convert_element_type3A_94 = arith.extui %lt3A_93 : i1 to i32
      %cond3A_95 = arith.constant 0 : i32
      %cond3A_96 = arith.cmpi ne, %convert_element_type3A_94, %cond3A_95 : i32
      scf.if %cond3A_96 {
        %mul3A_113 = arith.constant 128 : i32
        %mul3A_114 = arith.muli %add3A_88, %mul3A_113 : i32
        %add3A_115 = arith.addi %mul3A_13, %mul3A_114 : i32
        %dma_start3A_116 = tpu.memref_slice %arg3[%add3A_115] : memref<327680xi32, #tpu.memory_space<hbm>> -> memref<128xi32, #tpu.memory_space<hbm>>
        %dma_start3A_117 = tpu.memref_slice %arg3[%add3A_115] : memref<327680xi32, #tpu.memory_space<hbm>> -> memref<128xi32, #tpu.memory_space<hbm>>
        tpu.enqueue_dma source(%dma_start3A_117 : memref<128xi32, #tpu.memory_space<hbm>>) target(%arg9 : memref<128xi32, #tpu.memory_space<vmem>>) target_semaphore(%arg18 : memref<!tpu.dma_semaphore, #tpu.memory_space<semaphore_mem>>)
      } else {
      }
      %mul3A_97 = arith.constant 128 : i32
      %mul3A_98 = arith.muli %add3A_84, %mul3A_97 : i32
      %add3A_99 = arith.addi %mul3A_13, %mul3A_98 : i32
      %dma_wait3A_100 = tpu.memref_slice %arg4[%add3A_99] : memref<327680xi32, #tpu.memory_space<hbm>> -> memref<128xi32, #tpu.memory_space<hbm>>
      %dma_wait3A_101 = tpu.memref_slice %arg4[%add3A_99] : memref<327680xi32, #tpu.memory_space<hbm>> -> memref<128xi32, #tpu.memory_space<hbm>>
      tpu.wait_dma2 semaphore(%arg20 : memref<!tpu.dma_semaphore, #tpu.memory_space<semaphore_mem>>) src(%dma_wait3A_101 : memref<128xi32, #tpu.memory_space<hbm>>) dst(%arg11 : memref<128xi32, #tpu.memory_space<vmem>>)
      %dma_start3A_102 = arith.constant 0 : i32
      %dma_start3A_103 = arith.constant 0 : i32
      %dma_start3A_104 = tpu.memref_slice %arg12[%dma_start3A_102, %dma_start3A_103] : memref<10240x128xf32, #tpu.memory_space<vmem_shared>> -> memref<10240x128xf32, #tpu.memory_space<vmem_shared>>
      tpu.enqueue_indirect_dma source(%arg7 : memref<128x128xf32, #tpu.memory_space<vmem>>) target(%dma_start3A_104 : memref<10240x128xf32, #tpu.memory_space<vmem_shared>>) offsets(%arg11 : memref<128xi32, #tpu.memory_space<vmem>>) semaphore(%arg16 : memref<!tpu.dma_semaphore, #tpu.memory_space<semaphore_mem>>) {add = true}
      %dma_wait3A_105 = arith.constant 0 : i32
      %dma_wait3A_106 = arith.constant 0 : i32
      %dma_wait3A_107 = tpu.memref_slice %arg12[%dma_wait3A_105, %dma_wait3A_106] : memref<10240x128xf32, #tpu.memory_space<vmem_shared>> -> memref<10240x128xf32, #tpu.memory_space<vmem_shared>>
      tpu.wait_indirect_dma semaphore(%arg16 : memref<!tpu.dma_semaphore, #tpu.memory_space<semaphore_mem>>) src(%arg7 : memref<128x128xf32, #tpu.memory_space<vmem>>) dst(%dma_wait3A_107 : memref<10240x128xf32, #tpu.memory_space<vmem_shared>>)
      %lt3A_108 = arith.constant 80 : i32
      %lt3A_109 = arith.cmpi slt, %add3A_88, %lt3A_108 : i32
      %convert_element_type3A_110 = arith.extui %lt3A_109 : i1 to i32
      %cond3A_111 = arith.constant 0 : i32
      %cond3A_112 = arith.cmpi ne, %convert_element_type3A_110, %cond3A_111 : i32
      scf.if %cond3A_112 {
        %mul3A_113 = arith.constant 128 : i32
        %mul3A_114 = arith.muli %add3A_88, %mul3A_113 : i32
        %add3A_115 = arith.addi %mul3A_13, %mul3A_114 : i32
        %dma_wait3A_116 = tpu.memref_slice %arg3[%add3A_115] : memref<327680xi32, #tpu.memory_space<hbm>> -> memref<128xi32, #tpu.memory_space<hbm>>
        %dma_wait3A_117 = tpu.memref_slice %arg3[%add3A_115] : memref<327680xi32, #tpu.memory_space<hbm>> -> memref<128xi32, #tpu.memory_space<hbm>>
        tpu.wait_dma2 semaphore(%arg18 : memref<!tpu.dma_semaphore, #tpu.memory_space<semaphore_mem>>) src(%dma_wait3A_117 : memref<128xi32, #tpu.memory_space<hbm>>) dst(%arg9 : memref<128xi32, #tpu.memory_space<vmem>>)
        %dma_start3A_118 = arith.constant 0 : i32
        %dma_start3A_119 = arith.constant 0 : i32
        %dma_start3A_120 = tpu.memref_slice %arg2[%dma_start3A_118, %dma_start3A_119] : memref<10000x128xf32, #tpu.memory_space<hbm>> -> memref<10000x128xf32, #tpu.memory_space<hbm>>
        tpu.enqueue_indirect_dma source(%dma_start3A_120 : memref<10000x128xf32, #tpu.memory_space<hbm>>) target(%arg7 : memref<128x128xf32, #tpu.memory_space<vmem>>) offsets(%arg9 : memref<128xi32, #tpu.memory_space<vmem>>) semaphore(%arg14 : memref<!tpu.dma_semaphore, #tpu.memory_space<semaphore_mem>>)
        %mul3A_121 = arith.constant 128 : i32
        %mul3A_122 = arith.muli %add3A_88, %mul3A_121 : i32
        %add3A_123 = arith.addi %mul3A_13, %mul3A_122 : i32
        %dma_start3A_124 = tpu.memref_slice %arg4[%add3A_123] : memref<327680xi32, #tpu.memory_space<hbm>> -> memref<128xi32, #tpu.memory_space<hbm>>
        %dma_start3A_125 = tpu.memref_slice %arg4[%add3A_123] : memref<327680xi32, #tpu.memory_space<hbm>> -> memref<128xi32, #tpu.memory_space<hbm>>
        tpu.enqueue_dma source(%dma_start3A_125 : memref<128xi32, #tpu.memory_space<hbm>>) target(%arg11 : memref<128xi32, #tpu.memory_space<vmem>>) target_semaphore(%arg20 : memref<!tpu.dma_semaphore, #tpu.memory_space<semaphore_mem>>)
      } else {
      }
    }
    %scan3A_47 = arith.constant 40 : i32
    %barrier3A_48 = arith.constant 0 : index
    tpu.barrier barrier_id(%barrier3A_48)
    %mul3A_49 = arith.constant 640 : i32
    %mul3A_50 = arith.muli %arg1, %mul3A_49 : i32
    %mul3A_51 = arith.constant 640 : i32
    %mul3A_52 = arith.muli %arg1, %mul3A_51 : i32
    "tpu.region"() ({
      %run_scoped3A = tpu.sem_alloc : memref<!tpu.dma_semaphore, #tpu.memory_space<semaphore_mem>>
      %dma_start3A_53 = arith.constant 0 : i32
      %dma_start3A_54 = tpu.memref_slice %arg5[%arg0, %mul3A_52, %dma_start3A_53] : memref<2x10240x128xf32, #tpu.memory_space<hbm>> -> memref<1x640x128xf32, #tpu.memory_space<hbm>>
      %dma_start3A_55 = tpu.memref_squeeze %dma_start3A_54 : memref<1x640x128xf32, #tpu.memory_space<hbm>> -> memref<640x128xf32, #tpu.memory_space<hbm>>
      %dma_start3A_56 = arith.constant 0 : i32
      %dma_start3A_57 = tpu.memref_slice %arg12[%mul3A_50, %dma_start3A_56] : memref<10240x128xf32, #tpu.memory_space<vmem_shared>> -> memref<640x128xf32, #tpu.memory_space<vmem_shared>>
      tpu.enqueue_dma source(%dma_start3A_57 : memref<640x128xf32, #tpu.memory_space<vmem_shared>>) target(%dma_start3A_55 : memref<640x128xf32, #tpu.memory_space<hbm>>) target_semaphore(%run_scoped3A : memref<!tpu.dma_semaphore, #tpu.memory_space<semaphore_mem>>)
      %dma_wait3A_58 = arith.constant 0 : i32
      %dma_wait3A_59 = tpu.memref_slice %arg5[%arg0, %mul3A_52, %dma_wait3A_58] : memref<2x10240x128xf32, #tpu.memory_space<hbm>> -> memref<1x640x128xf32, #tpu.memory_space<hbm>>
      %dma_wait3A_60 = tpu.memref_squeeze %dma_wait3A_59 : memref<1x640x128xf32, #tpu.memory_space<hbm>> -> memref<640x128xf32, #tpu.memory_space<hbm>>
      %dma_wait3A_61 = arith.constant 0 : i32
      %dma_wait3A_62 = tpu.memref_slice %arg12[%mul3A_50, %dma_wait3A_61] : memref<10240x128xf32, #tpu.memory_space<vmem_shared>> -> memref<640x128xf32, #tpu.memory_space<vmem_shared>>
      tpu.wait_dma2 semaphore(%run_scoped3A : memref<!tpu.dma_semaphore, #tpu.memory_space<semaphore_mem>>) src(%dma_wait3A_62 : memref<640x128xf32, #tpu.memory_space<vmem_shared>>) dst(%dma_wait3A_60 : memref<640x128xf32, #tpu.memory_space<hbm>>)
      tpu.yield
    }) : () -> ()
    return
  }
}

module attributes {stable_mosaic.version = 14 : i64} {
  func.func @_tc_first_body(%arg0: i32, %arg1: memref<400x128xf32, #tpu.memory_space<vmem>>, %arg2: memref<128x128xf32, #tpu.memory_space<vmem>>, %arg3: memref<2x400x1xf32, #tpu.memory_space<vmem>>, %arg4: memref<400x128xf32, #tpu.memory_space<vmem>>, %arg5: memref<400x128xf32, #tpu.memory_space<vmem>>, %arg6: memref<400x1xf32, #tpu.memory_space<vmem>>) attributes {dimension_semantics = [#tpu.dimension_semantics<arbitrary>], iteration_bounds = array<i64: 25>, scalar_prefetch = 0 : i64, scratch_operands = 0 : i64, tpu.core_type = #tpu.core_type<tc>, window_params = [{transform_indices = @transform_0, window_bounds = array<i64: 400, 128>}, {pipeline_mode = #tpu.pipeline_mode<synchronous>, transform_indices = @transform_1, window_bounds = array<i64: 128, 128>}, {transform_indices = @transform_2, window_bounds = array<i64: 2, 400, 1>}, {transform_indices = @transform_3, window_bounds = array<i64: 400, 128>}, {transform_indices = @transform_4, window_bounds = array<i64: 400, 128>}, {transform_indices = @transform_5, window_bounds = array<i64: 400, 1>}]} {
    %get3A = arith.constant 0 : index
    %get3A_0 = arith.constant 0 : index
    %get3A_1 = arith.constant 0 : index
    %get3A_2 = vector.load %arg3[%get3A, %get3A_0, %get3A_1] : memref<2x400x1xf32, #tpu.memory_space<vmem>>, vector<1x400x1xf32>
    %get3A_3 = vector.shape_cast %get3A_2 : vector<1x400x1xf32> to vector<400x1xf32>
    %get3A_4 = arith.constant 1 : index
    %get3A_5 = arith.constant 0 : index
    %get3A_6 = arith.constant 0 : index
    %get3A_7 = vector.load %arg3[%get3A_4, %get3A_5, %get3A_6] : memref<2x400x1xf32, #tpu.memory_space<vmem>>, vector<1x400x1xf32>
    %get3A_8 = vector.shape_cast %get3A_7 : vector<1x400x1xf32> to vector<400x1xf32>
    %add3A = arith.addf %get3A_3, %get3A_8 : vector<400x1xf32>
    %add3A_9 = arith.constant 1.000000e+00 : f32
    %add3A_10 = vector.broadcast %add3A_9 : f32 to vector<400x1xf32>
    %add3A_11 = arith.addf %add3A, %add3A_10 : vector<400x1xf32>
    %rsqrt3A = math.rsqrt %add3A_11 : vector<400x1xf32>
    %get3A_12 = arith.constant 0 : index
    %get3A_13 = arith.constant 0 : index
    %get3A_14 = vector.load %arg1[%get3A_12, %get3A_13] : memref<400x128xf32, #tpu.memory_space<vmem>>, vector<400x128xf32>
    %get3A_15 = arith.constant 0 : index
    %get3A_16 = arith.constant 0 : index
    %get3A_17 = vector.load %arg2[%get3A_15, %get3A_16] : memref<128x128xf32, #tpu.memory_space<vmem>>, vector<128x128xf32>
    %dot_general3A = arith.constant dense<0.000000e+00> : vector<400x128xf32>
    %dot_general3A_18 = tpu.matmul %get3A_14, %get3A_17, %dot_general3A {dimension_numbers = #tpu.dot_dimension_numbers<[1], [0], [0], [1], [0, 0, 1, 1], [], []>, transpose_lhs_hint = false} : vector<400x128xf32>, vector<128x128xf32>, vector<400x128xf32> -> vector<400x128xf32>
    %swap3A = arith.constant 0 : index
    %swap3A_19 = arith.constant 0 : index
    %swap3A_20 = vector.load %arg4[%swap3A, %swap3A_19] : memref<400x128xf32, #tpu.memory_space<vmem>>, vector<400x128xf32>
    tpu.vector_store %arg4[%swap3A, %swap3A_19], %dot_general3A_18 {strides = array<i32>} : memref<400x128xf32, #tpu.memory_space<vmem>>, vector<400x128xf32>,
    %mul3A = vector.broadcast %rsqrt3A : vector<400x1xf32> to vector<400x128xf32>
    %mul3A_21 = arith.mulf %dot_general3A_18, %mul3A : vector<400x128xf32>
    %swap3A_22 = arith.constant 0 : index
    %swap3A_23 = arith.constant 0 : index
    %swap3A_24 = vector.load %arg5[%swap3A_22, %swap3A_23] : memref<400x128xf32, #tpu.memory_space<vmem>>, vector<400x128xf32>
    tpu.vector_store %arg5[%swap3A_22, %swap3A_23], %mul3A_21 {strides = array<i32>} : memref<400x128xf32, #tpu.memory_space<vmem>>, vector<400x128xf32>,
    %swap3A_25 = arith.constant 0 : index
    %swap3A_26 = arith.constant 0 : index
    %swap3A_27 = vector.load %arg6[%swap3A_25, %swap3A_26] : memref<400x1xf32, #tpu.memory_space<vmem>>, vector<400x1xf32>
    tpu.vector_store %arg6[%swap3A_25, %swap3A_26], %rsqrt3A {strides = array<i32>} : memref<400x1xf32, #tpu.memory_space<vmem>>, vector<400x1xf32>,
    return
  }
  func.func @transform_0(%arg0: i32) -> (i32, i32) {
    %c0_i32 = arith.constant 0 : i32
    %c0_i32_0 = arith.constant 0 : i32
    return %arg0, %c0_i32 : i32, i32
  }
  func.func @transform_1(%arg0: i32) -> (i32, i32) {
    %c0_i32 = arith.constant 0 : i32
    %c0_i32_0 = arith.constant 0 : i32
    %c0_i32_1 = arith.constant 0 : i32
    return %c0_i32, %c0_i32_0 : i32, i32
  }
  func.func @transform_2(%arg0: i32) -> (i32, i32, i32) {
    %c0_i32 = arith.constant 0 : i32
    %c0_i32_0 = arith.constant 0 : i32
    %c0_i32_1 = arith.constant 0 : i32
    return %c0_i32, %arg0, %c0_i32_0 : i32, i32, i32
  }
  func.func @transform_3(%arg0: i32) -> (i32, i32) {
    %c0_i32 = arith.constant 0 : i32
    %c0_i32_0 = arith.constant 0 : i32
    return %arg0, %c0_i32 : i32, i32
  }
  func.func @transform_4(%arg0: i32) -> (i32, i32) {
    %c0_i32 = arith.constant 0 : i32
    %c0_i32_0 = arith.constant 0 : i32
    return %arg0, %c0_i32 : i32, i32
  }
  func.func @transform_5(%arg0: i32) -> (i32, i32) {
    %c0_i32 = arith.constant 0 : i32
    %c0_i32_0 = arith.constant 0 : i32
    return %arg0, %c0_i32 : i32, i32
  }
}

module attributes {stable_mosaic.version = 14 : i64} {
  func.func @_tc_mid_body(%arg0: i32, %arg1: memref<2x400x128xf32, #tpu.memory_space<vmem>>, %arg2: memref<400x128xf32, #tpu.memory_space<vmem>>, %arg3: memref<400x1xf32, #tpu.memory_space<vmem>>, %arg4: memref<1x128xf32, #tpu.memory_space<vmem>>, %arg5: memref<128x128xf32, #tpu.memory_space<vmem>>, %arg6: memref<400x128xf32, #tpu.memory_space<vmem>>, %arg7: memref<400x128xf32, #tpu.memory_space<vmem>>) attributes {dimension_semantics = [#tpu.dimension_semantics<arbitrary>], iteration_bounds = array<i64: 25>, scalar_prefetch = 0 : i64, scratch_operands = 0 : i64, tpu.core_type = #tpu.core_type<tc>, window_params = [{transform_indices = @transform_0, window_bounds = array<i64: 2, 400, 128>}, {transform_indices = @transform_1, window_bounds = array<i64: 400, 128>}, {transform_indices = @transform_2, window_bounds = array<i64: 400, 1>}, {pipeline_mode = #tpu.pipeline_mode<synchronous>, transform_indices = @transform_3, window_bounds = array<i64: 1, 128>}, {pipeline_mode = #tpu.pipeline_mode<synchronous>, transform_indices = @transform_4, window_bounds = array<i64: 128, 128>}, {transform_indices = @transform_5, window_bounds = array<i64: 400, 128>}, {transform_indices = @transform_6, window_bounds = array<i64: 400, 128>}]} {
    %get3A = arith.constant 0 : index
    %get3A_0 = arith.constant 0 : index
    %get3A_1 = vector.load %arg3[%get3A, %get3A_0] : memref<400x1xf32, #tpu.memory_space<vmem>>, vector<400x1xf32>
    %get3A_2 = arith.constant 0 : index
    %get3A_3 = arith.constant 0 : index
    %get3A_4 = arith.constant 0 : index
    %get3A_5 = vector.load %arg1[%get3A_2, %get3A_3, %get3A_4] : memref<2x400x128xf32, #tpu.memory_space<vmem>>, vector<1x400x128xf32>
    %get3A_6 = vector.shape_cast %get3A_5 : vector<1x400x128xf32> to vector<400x128xf32>
    %get3A_7 = arith.constant 1 : index
    %get3A_8 = arith.constant 0 : index
    %get3A_9 = arith.constant 0 : index
    %get3A_10 = vector.load %arg1[%get3A_7, %get3A_8, %get3A_9] : memref<2x400x128xf32, #tpu.memory_space<vmem>>, vector<1x400x128xf32>
    %get3A_11 = vector.shape_cast %get3A_10 : vector<1x400x128xf32> to vector<400x128xf32>
    %add3A = arith.addf %get3A_6, %get3A_11 : vector<400x128xf32>
    %mul3A = vector.broadcast %get3A_1 : vector<400x1xf32> to vector<400x128xf32>
    %mul3A_12 = arith.mulf %mul3A, %add3A : vector<400x128xf32>
    %mul3A_13 = arith.mulf %get3A_1, %get3A_1 : vector<400x1xf32>
    %get3A_14 = arith.constant 0 : index
    %get3A_15 = arith.constant 0 : index
    %get3A_16 = vector.load %arg2[%get3A_14, %get3A_15] : memref<400x128xf32, #tpu.memory_space<vmem>>, vector<400x128xf32>
    %mul3A_17 = vector.broadcast %mul3A_13 : vector<400x1xf32> to vector<400x128xf32>
    %mul3A_18 = arith.mulf %mul3A_17, %get3A_16 : vector<400x128xf32>
    %add3A_19 = arith.addf %mul3A_12, %mul3A_18 : vector<400x128xf32>
    %get3A_20 = arith.constant 0 : index
    %get3A_21 = arith.constant 0 : index
    %get3A_22 = vector.load %arg4[%get3A_20, %get3A_21] : memref<1x128xf32, #tpu.memory_space<vmem>>, vector<1x128xf32>
    %add3A_23 = vector.broadcast %get3A_22 : vector<1x128xf32> to vector<400x128xf32>
    %add3A_24 = arith.addf %add3A_19, %add3A_23 : vector<400x128xf32>
    %max3A = arith.constant 0.000000e+00 : f32
    %max3A_25 = vector.broadcast %max3A : f32 to vector<400x128xf32>
    %max3A_26 = arith.maximumf %add3A_24, %max3A_25 : vector<400x128xf32>
    %get3A_27 = arith.constant 0 : index
    %get3A_28 = arith.constant 0 : index
    %get3A_29 = vector.load %arg5[%get3A_27, %get3A_28] : memref<128x128xf32, #tpu.memory_space<vmem>>, vector<128x128xf32>
    %dot_general3A = arith.constant dense<0.000000e+00> : vector<400x128xf32>
    %dot_general3A_30 = tpu.matmul %max3A_26, %get3A_29, %dot_general3A {dimension_numbers = #tpu.dot_dimension_numbers<[1], [0], [0], [1], [0, 0, 1, 1], [], []>, transpose_lhs_hint = false} : vector<400x128xf32>, vector<128x128xf32>, vector<400x128xf32> -> vector<400x128xf32>
    %swap3A = arith.constant 0 : index
    %swap3A_31 = arith.constant 0 : index
    %swap3A_32 = vector.load %arg6[%swap3A, %swap3A_31] : memref<400x128xf32, #tpu.memory_space<vmem>>, vector<400x128xf32>
    tpu.vector_store %arg6[%swap3A, %swap3A_31], %dot_general3A_30 {strides = array<i32>} : memref<400x128xf32, #tpu.memory_space<vmem>>, vector<400x128xf32>,
    %mul3A_33 = vector.broadcast %get3A_1 : vector<400x1xf32> to vector<400x128xf32>
    %mul3A_34 = arith.mulf %dot_general3A_30, %mul3A_33 : vector<400x128xf32>
    %swap3A_35 = arith.constant 0 : index
    %swap3A_36 = arith.constant 0 : index
    %swap3A_37 = vector.load %arg7[%swap3A_35, %swap3A_36] : memref<400x128xf32, #tpu.memory_space<vmem>>, vector<400x128xf32>
    tpu.vector_store %arg7[%swap3A_35, %swap3A_36], %mul3A_34 {strides = array<i32>} : memref<400x128xf32, #tpu.memory_space<vmem>>, vector<400x128xf32>,
    return
  }
  func.func @transform_0(%arg0: i32) -> (i32, i32, i32) {
    %c0_i32 = arith.constant 0 : i32
    %c0_i32_0 = arith.constant 0 : i32
    %c0_i32_1 = arith.constant 0 : i32
    return %c0_i32, %arg0, %c0_i32_0 : i32, i32, i32
  }
  func.func @transform_1(%arg0: i32) -> (i32, i32) {
    %c0_i32 = arith.constant 0 : i32
    %c0_i32_0 = arith.constant 0 : i32
    return %arg0, %c0_i32 : i32, i32
  }
  func.func @transform_2(%arg0: i32) -> (i32, i32) {
    %c0_i32 = arith.constant 0 : i32
    %c0_i32_0 = arith.constant 0 : i32
    return %arg0, %c0_i32 : i32, i32
  }
  func.func @transform_3(%arg0: i32) -> (i32, i32) {
    %c0_i32 = arith.constant 0 : i32
    %c0_i32_0 = arith.constant 0 : i32
    %c0_i32_1 = arith.constant 0 : i32
    return %c0_i32, %c0_i32_0 : i32, i32
  }
  func.func @transform_4(%arg0: i32) -> (i32, i32) {
    %c0_i32 = arith.constant 0 : i32
    %c0_i32_0 = arith.constant 0 : i32
    %c0_i32_1 = arith.constant 0 : i32
    return %c0_i32, %c0_i32_0 : i32, i32
  }
  func.func @transform_5(%arg0: i32) -> (i32, i32) {
    %c0_i32 = arith.constant 0 : i32
    %c0_i32_0 = arith.constant 0 : i32
    return %arg0, %c0_i32 : i32, i32
  }
  func.func @transform_6(%arg0: i32) -> (i32, i32) {
    %c0_i32 = arith.constant 0 : i32
    %c0_i32_0 = arith.constant 0 : i32
    return %arg0, %c0_i32 : i32, i32
  }
}

module attributes {stable_mosaic.version = 14 : i64} {
  func.func @_tc_last_body(%arg0: i32, %arg1: memref<2x400x128xf32, #tpu.memory_space<vmem>>, %arg2: memref<400x128xf32, #tpu.memory_space<vmem>>, %arg3: memref<400x1xf32, #tpu.memory_space<vmem>>, %arg4: memref<1x128xf32, #tpu.memory_space<vmem>>, %arg5: memref<128x40xf32, #tpu.memory_space<vmem>>, %arg6: memref<1x40xf32, #tpu.memory_space<vmem>>, %arg7: memref<400x40xf32, #tpu.memory_space<vmem>>) attributes {dimension_semantics = [#tpu.dimension_semantics<arbitrary>], iteration_bounds = array<i64: 25>, scalar_prefetch = 0 : i64, scratch_operands = 0 : i64, tpu.core_type = #tpu.core_type<tc>, window_params = [{transform_indices = @transform_0, window_bounds = array<i64: 2, 400, 128>}, {transform_indices = @transform_1, window_bounds = array<i64: 400, 128>}, {transform_indices = @transform_2, window_bounds = array<i64: 400, 1>}, {pipeline_mode = #tpu.pipeline_mode<synchronous>, transform_indices = @transform_3, window_bounds = array<i64: 1, 128>}, {pipeline_mode = #tpu.pipeline_mode<synchronous>, transform_indices = @transform_4, window_bounds = array<i64: 128, 40>}, {pipeline_mode = #tpu.pipeline_mode<synchronous>, transform_indices = @transform_5, window_bounds = array<i64: 1, 40>}, {transform_indices = @transform_6, window_bounds = array<i64: 400, 40>}]} {
    %get3A = arith.constant 0 : index
    %get3A_0 = arith.constant 0 : index
    %get3A_1 = vector.load %arg3[%get3A, %get3A_0] : memref<400x1xf32, #tpu.memory_space<vmem>>, vector<400x1xf32>
    %get3A_2 = arith.constant 0 : index
    %get3A_3 = arith.constant 0 : index
    %get3A_4 = arith.constant 0 : index
    %get3A_5 = vector.load %arg1[%get3A_2, %get3A_3, %get3A_4] : memref<2x400x128xf32, #tpu.memory_space<vmem>>, vector<1x400x128xf32>
    %get3A_6 = vector.shape_cast %get3A_5 : vector<1x400x128xf32> to vector<400x128xf32>
    %get3A_7 = arith.constant 1 : index
    %get3A_8 = arith.constant 0 : index
    %get3A_9 = arith.constant 0 : index
    %get3A_10 = vector.load %arg1[%get3A_7, %get3A_8, %get3A_9] : memref<2x400x128xf32, #tpu.memory_space<vmem>>, vector<1x400x128xf32>
    %get3A_11 = vector.shape_cast %get3A_10 : vector<1x400x128xf32> to vector<400x128xf32>
    %add3A = arith.addf %get3A_6, %get3A_11 : vector<400x128xf32>
    %mul3A = vector.broadcast %get3A_1 : vector<400x1xf32> to vector<400x128xf32>
    %mul3A_12 = arith.mulf %mul3A, %add3A : vector<400x128xf32>
    %mul3A_13 = arith.mulf %get3A_1, %get3A_1 : vector<400x1xf32>
    %get3A_14 = arith.constant 0 : index
    %get3A_15 = arith.constant 0 : index
    %get3A_16 = vector.load %arg2[%get3A_14, %get3A_15] : memref<400x128xf32, #tpu.memory_space<vmem>>, vector<400x128xf32>
    %mul3A_17 = vector.broadcast %mul3A_13 : vector<400x1xf32> to vector<400x128xf32>
    %mul3A_18 = arith.mulf %mul3A_17, %get3A_16 : vector<400x128xf32>
    %add3A_19 = arith.addf %mul3A_12, %mul3A_18 : vector<400x128xf32>
    %get3A_20 = arith.constant 0 : index
    %get3A_21 = arith.constant 0 : index
    %get3A_22 = vector.load %arg4[%get3A_20, %get3A_21] : memref<1x128xf32, #tpu.memory_space<vmem>>, vector<1x128xf32>
    %add3A_23 = vector.broadcast %get3A_22 : vector<1x128xf32> to vector<400x128xf32>
    %add3A_24 = arith.addf %add3A_19, %add3A_23 : vector<400x128xf32>
    %max3A = arith.constant 0.000000e+00 : f32
    %max3A_25 = vector.broadcast %max3A : f32 to vector<400x128xf32>
    %max3A_26 = arith.maximumf %add3A_24, %max3A_25 : vector<400x128xf32>
    %get3A_27 = arith.constant 0 : index
    %get3A_28 = arith.constant 0 : index
    %get3A_29 = vector.load %arg5[%get3A_27, %get3A_28] : memref<128x40xf32, #tpu.memory_space<vmem>>, vector<128x40xf32>
    %dot_general3A = arith.constant dense<0.000000e+00> : vector<400x40xf32>
    %dot_general3A_30 = tpu.matmul %max3A_26, %get3A_29, %dot_general3A {dimension_numbers = #tpu.dot_dimension_numbers<[1], [0], [0], [1], [0, 0, 1, 1], [], []>, transpose_lhs_hint = false} : vector<400x128xf32>, vector<128x40xf32>, vector<400x40xf32> -> vector<400x40xf32>
    %get3A_31 = arith.constant 0 : index
    %get3A_32 = arith.constant 0 : index
    %get3A_33 = vector.load %arg6[%get3A_31, %get3A_32] : memref<1x40xf32, #tpu.memory_space<vmem>>, vector<1x40xf32>
    %add3A_34 = vector.broadcast %get3A_33 : vector<1x40xf32> to vector<400x40xf32>
    %add3A_35 = arith.addf %dot_general3A_30, %add3A_34 : vector<400x40xf32>
    %swap3A = arith.constant 0 : index
    %swap3A_36 = arith.constant 0 : index
    %swap3A_37 = vector.load %arg7[%swap3A, %swap3A_36] : memref<400x40xf32, #tpu.memory_space<vmem>>, vector<400x40xf32>
    tpu.vector_store %arg7[%swap3A, %swap3A_36], %add3A_35 {strides = array<i32>} : memref<400x40xf32, #tpu.memory_space<vmem>>, vector<400x40xf32>,
    return
  }
  func.func @transform_0(%arg0: i32) -> (i32, i32, i32) {
    %c0_i32 = arith.constant 0 : i32
    %c0_i32_0 = arith.constant 0 : i32
    %c0_i32_1 = arith.constant 0 : i32
    return %c0_i32, %arg0, %c0_i32_0 : i32, i32, i32
  }
  func.func @transform_1(%arg0: i32) -> (i32, i32) {
    %c0_i32 = arith.constant 0 : i32
    %c0_i32_0 = arith.constant 0 : i32
    return %arg0, %c0_i32 : i32, i32
  }
  func.func @transform_2(%arg0: i32) -> (i32, i32) {
    %c0_i32 = arith.constant 0 : i32
    %c0_i32_0 = arith.constant 0 : i32
    return %arg0, %c0_i32 : i32, i32
  }
  func.func @transform_3(%arg0: i32) -> (i32, i32) {
    %c0_i32 = arith.constant 0 : i32
    %c0_i32_0 = arith.constant 0 : i32
    %c0_i32_1 = arith.constant 0 : i32
    return %c0_i32, %c0_i32_0 : i32, i32
  }
  func.func @transform_4(%arg0: i32) -> (i32, i32) {
    %c0_i32 = arith.constant 0 : i32
    %c0_i32_0 = arith.constant 0 : i32
    %c0_i32_1 = arith.constant 0 : i32
    return %c0_i32, %c0_i32_0 : i32, i32
  }
  func.func @transform_5(%arg0: i32) -> (i32, i32) {
    %c0_i32 = arith.constant 0 : i32
    %c0_i32_0 = arith.constant 0 : i32
    %c0_i32_1 = arith.constant 0 : i32
    return %c0_i32, %c0_i32_0 : i32, i32
  }
  func.func @transform_6(%arg0: i32) -> (i32, i32) {
    %c0_i32 = arith.constant 0 : i32
    %c0_i32_0 = arith.constant 0 : i32
    return %arg0, %c0_i32 : i32, i32
  }
}

</mosaic_0001>

<sc_bundles>
// kernel: kernel.11.cloned.1.call-start
scs
__scs_entry_jumppad:
0x0: {  	(pc) =	sbr.rel $0x88, $3  }
0x1: {  	(tag) =	ssettag $0x0;
	lr =	simm.s32 $0x1  }
0x2: {  	[smem:$0x3F99] =	sst lr;
	_ =	strace $0xD0000000  }
0x3: {  	_ = 	snop  }
0x4: {  	_ = 	snop  }
0x5: {  	_ = 	snop  }
0x6: {  	_ = 	snop  }
0x7: {  	_ = 	snop  }
__scs_overlays_trampoline_lowered:
0x8: {  	[smem:$0x3FA8] =	sst s0  }
0x9: {  	[smem:$0x3FA9] =	sst s1  }
0xa: {  	[smem:$0x3FAA] =	sst s2  }
0xb: {  	[smem:$0x3FAB] =	sst s3  }
0xc: {  	[smem:$0x3FAC] =	sst s4  }
0xd: {  	[smem:$0x3FAD] =	sst s5  }
0xe: {  	[smem:$0x3FAE] =	sst s6  }
0xf: {  	[smem:$0x3FAF] =	sst s7  }
0x10: {  	[smem:$0x3FB0] =	sst s8  }
0x11: {  	[smem:$0x3FB1] =	sst s9;
	s0 =	simm.s32 @!p0 $0x0  }
0x12: {  	s1 =	sld [smem:$0x3F97];
	s0 =	simm.s32 @p0 $0x1  }
0x13: {  	[smem:$0x3FB2] =	sst s0;
	s0 =	simm.s32 @!p1 $0x0  }
0x14: {  	s2 =	sld [smem:$0x3F96];
	s0 =	simm.s32 @p1 $0x1  }
0x15: {  	[smem:$0x3FB3] =	sst s0;
	s0 =	simm.s32 @!p2 $0x0  }
0x16: {  	s3 =	sld [smem:$0x3FDB];
	s0 =	simm.s32 @p2 $0x1  }
0x17: {  	s4 =	simm.s32 $0x1BF5;
	[smem:$0x3FB5] =	sst s0  }
0x18: {  	s0 =	sld [smem:$0x3F98];
	_ =	swait.ge [sflag:s4], $0x0  }
0x19: {  	s7 =	sld [smem:$0x3F99]  }
0x1a: {  	s8 =	sadd.s32 $0xFFFFE003, lr  }
0x1b: {  	s9 =	sadd.s32 $0xFFFFFEF7, lr;
	s5 =	simm.s32 $0xFFFFFFFF;
	p2 =	slt.u32 s8, $0xFFFFF086  }
0x1c: {  	p1 =	slt.u32 s9, $0xF7A;
	s5 =	simm.s32 @!p2 $0x0  }
0x1d: {  	s5 =	simm.s32 @p1 $0x1;
	p0 =	seq.s32 s7, s2  }
0x1e: {  	s7 =	smul.u32 @!p0 $0xF7A, s2;
	p2 =	seq.s32 @!p0 s5, $0x0  }
0x1f: {  	s9 =	smul.u32 $0xF7A, s1;
	s8 =	simm.s32 @!p0 $0x1BF5;
	p2 =	por !p2, p0  }
0x20: {  	[sflag:s8] =	ssyncset.s32 @!p0 $0xFFFFF086;
	s6 =	sadd.s32 @!p0 s3, s7;
	s7 =	simm.s32 @!p0 $0x108  }
0x21: {  	s3 =	sadd.s32 s3, s9;
	s6 =	sadd.s32 @!p0 $0x88, s6;
	s7 =	simm.s32 @p2 $0x1082  }
0x22: {  	[simem:s7], [sflag:s8] =	dma.local @!p0 [hbm:s6], $0xF7A  }
0x23: {  	s9 =	sor.u32 $0xD0000000, s2;
	s6 =	simm.s32 $0x108;
	_ =	swait.ge @!p0 [sflag:s8], $0x0  }
0x24: {  	s3 =	sadd.s32 $0x88, s3;
	s6 =	simm.s32 @!p1 $0x1082;
	[sflag:s4] =	ssyncset.s32 $0xFFFFF086  }
0x25: {  	[simem:s6], [sflag:s4] =	dma.local [hbm:s3], $0xF7A  }
0x26: {  	[smem:$0x3F99] =	sst s1;
	(tag) =	ssettag s2;
	_ =	strace s9  }
0x27: {  	s1 =	sld [smem:$0x3FA9]  }
0x28: {  	s2 =	sld [smem:$0x3FAA]  }
0x29: {  	s4 =	sld [smem:$0x3FAC]  }
0x2a: {  	p0 =	seq.s32 s5, $0x0;
	s5 =	sld [smem:$0x3FAD]  }
0x2b: {  	s6 =	sld [smem:$0x3FAE]  }
0x2c: {  	s7 =	sld [smem:$0x3FAF]  }
0x2d: {  	s3 =	simm.s32 $0x108;
	s8 =	sld [smem:$0x3FB0]  }
0x2e: {  	s3 =	simm.s32 @!p0 $0x1082;
	s9 =	sld [smem:$0x3FB1]  }
0x2f: {  	lr =	sadd.s32 s0, s3;
	s0 =	sld [smem:$0x3FA8]  }
0x30: {  	s3 =	sld [smem:$0x3FAB]  }
0x31: {  	[smem:$0x3FB4] =	sst s10  }
0x32: {  	s10 =	sld [smem:$0x3FB2];
	_ =	sdelay $0x3  }
0x33: {  	p0 =	seq.s32 s10, $0x1;
	s10 =	sld [smem:$0x3FB4];
	_ =	sdelay $0x3  }
0x34: {  	[smem:$0x3FB4] =	sst s10  }
0x35: {  	s10 =	sld [smem:$0x3FB3];
	_ =	sdelay $0x3  }
0x36: {  	p1 =	seq.s32 s10, $0x1;
	s10 =	sld [smem:$0x3FB4];
	_ =	sdelay $0x3  }
0x37: {  	[smem:$0x3FB4] =	sst s10  }
0x38: {  	s10 =	sld [smem:$0x3FB5]  }
0x39: {  	_ = 	snop;
	(pc) =	sbr.ind lr, $3  }
0x3a: {  	_ = 	snop  }
0x3b: {  	_ = 	snop  }
0x3c: {  	p2 =	seq.s32 s10, $0x1;
	s10 =	sld [smem:$0x3FB4]  }
0x3d: {  	_ =	shalt  }
0x3e: {  	_ =	shalt  }
0x3f: {  	_ =	shalt  }
0x40: {  	_ =	shalt  }
0x41: {  	_ =	shalt  }
0x42: {  	_ =	shalt  }
0x43: {  	_ =	shalt  }
0x44: {  	_ =	shalt  }
0x45: {  	_ =	shalt  }
0x46: {  	_ =	shalt  }
0x47: {  	_ =	shalt  }
0x48: {  	_ =	shalt  }
0x49: {  	_ =	shalt  }
0x4a: {  	_ =	shalt  }
0x4b: {  	_ =	shalt  }
0x4c: {  	_ =	shalt  }
0x4d: {  	_ =	shalt  }
0x4e: {  	_ =	shalt  }
0x4f: {  	_ =	shalt  }
0x50: {  	_ =	shalt  }
0x51: {  	_ =	shalt  }
0x52: {  	_ =	shalt  }
0x53: {  	_ =	shalt  }
0x54: {  	_ =	shalt  }
0x55: {  	_ =	shalt  }
0x56: {  	_ =	shalt  }
0x57: {  	_ =	shalt  }
0x58: {  	_ =	shalt  }
0x59: {  	_ =	shalt  }
0x5a: {  	_ =	shalt  }
0x5b: {  	_ =	shalt  }
0x5c: {  	_ =	shalt  }
0x5d: {  	_ =	shalt  }
0x5e: {  	_ =	shalt  }
0x5f: {  	_ =	shalt  }
0x60: {  	_ =	shalt  }
0x61: {  	_ =	shalt  }
0x62: {  	_ =	shalt  }
0x63: {  	_ =	shalt  }
0x64: {  	_ =	shalt  }
0x65: {  	_ =	shalt  }
0x66: {  	_ =	shalt  }
0x67: {  	_ =	shalt  }
0x68: {  	_ =	shalt  }
0x69: {  	_ =	shalt  }
0x6a: {  	_ =	shalt  }
0x6b: {  	_ =	shalt  }
0x6c: {  	_ =	shalt  }
0x6d: {  	_ =	shalt  }
0x6e: {  	_ =	shalt  }
0x6f: {  	_ =	shalt  }
0x70: {  	_ =	shalt  }
0x71: {  	_ =	shalt  }
0x72: {  	_ =	shalt  }
0x73: {  	_ =	shalt  }
0x74: {  	_ =	shalt  }
0x75: {  	_ =	shalt  }
0x76: {  	_ =	shalt  }
0x77: {  	_ =	shalt  }
0x78: {  	_ =	shalt  }
0x79: {  	_ =	shalt  }
0x7a: {  	_ =	shalt  }
0x7b: {  	_ =	shalt  }
0x7c: {  	_ =	shalt  }
0x7d: {  	_ =	shalt  }
0x7e: {  	_ =	shalt  }
0x7f: {  	_ =	shalt  }
0x80: {  	_ =	shalt  }
0x81: {  	_ =	shalt  }
0x82: {  	_ =	shalt  }
0x83: {  	_ =	shalt  }
0x84: {  	_ =	shalt  }
0x85: {  	_ =	shalt  }
0x86: {  	_ =	shalt  }
0x87: {  	_ =	shalt  }
.Lfunc_end0:
.L_simem_size_0:
called_computation.1_lowered:
.L_overlay_start_0:
0x88: {  	s2 =	sld [smem:$0x3FD9]  }
0x89: {  	s3 =	sld [smem:$0x3FFE];
	_ =	sdelay $0x1  }
0x8a: {  	s1 =	srdreg.scid  }
0x8b: {  	s0 =	sand.u32 $0x1, s1  }
0x8c: {  	s17 =	sshll.u32 s0, $0xA;
	s2 =	sadd.s32 s3, s2  }
0x8d: {  	s2 =	sadd.s32 s2, s17  }
0x8e: {  	[smem:$0x3FC0] =	sst s2  }
0x8f: {  	_ = 	snop  }
0x90: {  	s2 =	sld [smem:$0x3FD0];
	(tm) =	ssettm $0x1  }
0x91: {  	s18 =	sld [smem:$0x3FFB];
	_ =	sdelay $0x3  }
0x92: {  	_ =	strace s18  }
0x93: {  	s3 =	sld [smem:$0x3FFC];
	_ =	sdelay $0x3  }
0x94: {  	_ =	strace s3  }
0x95: {  	s3 =	sld [smem:$0x3FFD];
	_ =	sdelay $0x3  }
0x96: {  	_ =	strace s3  }
0x97: {  	_ =	strace $0x8FFFFFFF  }
0x98: {  	s19 =	sld [smem:$0x3FDB];
	_ =	sdelay $0x1  }
0x99: {  	s4 =	simm.s32 $_scs_section_size  }
0x9a: {  	s5 =	simm.s32 $_size__tile_overlayer_lowered;
	s6 =	simm.s32 $_tile_overlayer_lowered  }
0x9b: {  	s22 =	simm.s32 $0x1BFF;
	s21 =	sshll.u32 s6, $0x1;
	s3 =	sadd.s32 s4, s19  }
0x9c: {  	s7 =	simm.s32 $0x0;
	s20 =	sshll.u32 s5, $0x1;
	s5 =	sadd.s32 s21, s3  }
0x9d: {  	[timem:s7], [sflag:s22] =	dma.local [hbm:s5], s20  }
0x9e: {  	_ =	swait.ge [sflag:s22], s20  }
0x9f: {  	s4 =	ssub.s32 $0x0, s20;
	[sflag:s22] =	ssyncset.done $0x0  }
0xa0: {  	[sflag:s22] =	ssyncadd.s32 s4;
	_ =	sdelay $0x1  }
0xa1: {  	s23 =	simm.s32 $0x1B8B  }
0xa2: {  	_ =	swait.ge [sflag:s23], $0x1  }
0xa3: {  	[sflag:s23] =	ssyncset.done $0x0  }
0xa4: {  	s25 =	simm.s32 $0x1B8E;
	s24 =	sld [smem:$0x3FFE];
	[sflag:s23] =	ssyncadd.s32 $0xFFFFFFFF  }
0xa5: {  	s26 =	simm.s32 $execute0_lowered;
	[smem:$0x3FD2] =	sst s25  }
0xa6: {  	s5 =	sshll.u32 s26, $0x1;
	_ =	strace $0x80000049;
	[dreg:$0x1] =	wrdreg $0xFFFFFFFF  }
0xa7: {  	s28 =	simm.s32 $_size_execute0_lowered;
	s3 =	sadd.s32 s3, s5;
	[dreg:$0x0] =	wrdreg $0x0  }
0xa8: {  	s5 =	sshll.u32 s28, $0x1;
	[dreg:$0x2] =	wrdreg s3  }
0xa9: {  	[dreg:$0x3] =	wrdreg s5  }
0xaa: {  	[dreg:$0x4] =	wrdreg $0xC0  }
0xab: {  	_ =	task [dreg:s7], $0x5FFFF  }
0xac: {  	[dreg:$0x1] =	wrdreg $0xFFFFFFFF  }
0xad: {  	[dreg:$0x0] =	wrdreg $0x60  }
0xae: {  	[dreg:$0x2] =	wrdreg s24  }
0xaf: {  	[dreg:$0x3] =	wrdreg s2  }
0xb0: {  	[dreg:$0x4] =	wrdreg $0x82000  }
0xb1: {  	[dreg:$0x5] =	wrdreg $0x9  }
0xb2: {  	_ =	task.clear_ibuf [dreg:s7], $0x6FFFF;
	_ =	strace $0x90000049  }
0xb3: {  	s29 =	simm.s32 $0x9;
	_ =	strace $0x8000004B  }
0xb4: {  	_ =	swait.ge [sflag:s29], $0x1  }
0xb5: {  	[sflag:s29] =	ssyncadd.s32 $0xFFFFFFFF  }
0xb6: {  	_ =	strace $0x9000004B  }
0xb7: {  	_ =	sfence  }
0xb8: {  	s30 =	sld [smem:$0x0];
	_ =	sdelay $0x2  }
0xb9: {  	s31 =	sshll.u32 s1, $0xD;
	s1 =	sshrl.u32 s1, $0x2  }
0xba: {  	s3 =	sand.u32 $0x4000, s31;
	s1 =	sadd.s32 s1, s30  }
0xbb: {  	s0 =	sor.u32 s3, s0;
	s1 =	sshll.u32 s1, $0x11  }
0xbc: {  	s0 =	sor.u32 s1, s0  }
0xbd: {  	s0 =	sadd.s32 $0x8F2B, s0  }
0xbe: {  	[sflag:s0] =	ssyncadd.remote.s32 $0x1  }
0xbf: {  	_ =	sfence.sel $0xFFFF  }
0xc0: {  	[dreg:$0x0] =	wrdreg $0xFFFFFFFF;
	(pc) =	sbr.abs _section_cstart, $3  }
0xc1: {  	[dreg:$0x1] =	wrdreg $0xFFFFFFFF  }
0xc2: {  	_ =	task.clear_ibuf [dreg:s7], $0x2FFFF;
	_ =	strace $0x9FFFFFFF  }
0xc3: {  	(tm) =	ssettm $0x7FFFFFFF  }
tec
execute0_lowered:
.L_overlay_start_1:
0x0: {  	(tag) =	ssettag $0x1  }
0x1: {  	s0 =	rddreg [dreg:$0x0]  }
0x2: {  	s2 =	rddreg [dreg:$0x1]  }
0x3: {  	s1 =	rddreg [dreg:$0x2];
	s3 =	srdreg.scid  }
0x4: {  	s11 =	stileid.u32;
	s28 =	simm.s32 $0x8100;
	s29 =	simm.s32 $0x8180  }
0x5: {  	s30 =	simm.s32 $0x1;
	s31 =	simm.s32 $0x7;
	s7 =	smul.u32 $0x14000, s11  }
0x6: {  	s6 =	sand.u32 $0x1, s3;
	s3 =	simm.s32 $0x0;
	s18 =	smul.u32 $0x50000, s11  }
0x7: {  	s4 =	sadd.s32 $0xC200, s0;
	s8 =	sshll.u32 s11, $0x1;
	s13 =	smul.u32 $0x5000, s11  }
0x8: {  	s10 =	sadd.s32 $0x2200, s0;
	s5 =	smul.u32 $0x140000, s6;
	[smem:$0x7FF] =	sst s3  }
0x9: {  	s17 =	sor.u32 s6, s8;
	s9 =	ssub.s32 $0x2, s6;
	s6 =	smul.u32 $0x2800, s6  }
0xa: {  	s8 =	simm.s32 $0x0;
	_ =	strace $0x8000004A;
	s19 =	sshrl.u32 s9, $0x1  }
0xb: {  	s20 =	sshrl.u32 s18, $0x2;
	s5 =	sadd.s32 s7, s5;
	s7 =	smul.u32 $0x2800, s17  }
0xc: {  	s9 =	ssub.s32 s9, s19;
	s26 =	sadd.s32 s6, s13;
	s5 =	sshrl.u32 s5, $0x3  }
0xd: {  	s25 =	smax.u32 s9, $0x1;
	s6 =	sor.u32 $0x100, s26;
	s0 =	sadd.s32 s5, s0  }
0xe: {  	s7 =	sshrl.u32 s7, $0x3;
	s5 =	sadd.s32 s20, s1;
	[dreg:$0x9] =	wrdreg s25  }
0xf: {  	s6 =	sshrl.u32 s6, $0x3;
	s20 =	simm.s32 $0x9;
	s25 =	simm.s32 $0x80  }
0x10: {  	s21 =	sor.u32 $0x10, s7;
	s22 =	sadd.s32 s10, s7;
	s7 =	sadd.s32 s2, s7  }
0x11: {  	s0 =	sadd.s32 $0x33400, s0;
	s12 =	sadd.s32 $0x4000, s5;
	s13 =	sadd.s32 $0x8000, s5  }
0x12: {  	s14 =	sadd.s32 $0xC000, s5;
	s15 =	sadd.s32 $0x10000, s5;
	s16 =	sadd.s32 s6, s2  }
0x13: {  	s17 =	sadd.s32 s6, s10;
	s6 =	simm.s32 $0x8;
	[dreg:$0x4] =	wrdreg s22  }
0x14: {  	s23 =	sadd.s32 s10, s21;
	[dreg:$0x6] =	wrdreg s7;
	s24 =	sadd.s32 s2, s21  }
0x15: {  	[dreg:$0x8] =	wrdreg s0;
	s0 =	sor.u32 $0x180, s26;
	s21 =	simm.s32 $0x8000  }
0x16: {  	s22 =	simm.s32 $0x5;
	s26 =	simm.s32 $0x4000;
	[dreg:$0x5] =	wrdreg s23  }
0x17: {  	s7 =	simm.s32 $0x4;
	[dreg:$0x7] =	wrdreg s24;
	s0 =	sshrl.u32 s0, $0x3  }
0x18: {  	s23 =	simm.s32 $0x8080;
	s24 =	simm.s32 $0x6;
	s18 =	sadd.s32 s0, s2  }
0x19: {  	v0 =	vimm.f32 $0.0e+00;
	s19 =	sadd.s32 s0, s10;
	s0 =	simm.s32 $0x3;
	s2 =	simm.s32 $0x2  }
.LBB2_1:
0x1a: {  	s9 =	simm.s32 $0x0;
	s10 =	simm.s32 $0x200  }
.LBB2_2:
0x1b: {  	p0 =	sne.s32 s10, $0xFE00;
	[tilespmem:s9+$0x70] =	vst v0  }
0x1c: {  	[tilespmem:s9+$0x0] =	vst v0  }
0x1d: {  	[tilespmem:s9+$0x10] =	vst v0  }
.Ltmp0:
0x1e: {  	[tilespmem:s9+$0x20] =	vst v0;
	(pc) =	sbr.rel @p0 .LBB2_2-.Ltmp0, $4  }
0x1f: {  	[tilespmem:s9+$0x30] =	vst v0  }
0x20: {  	[tilespmem:s9+$0x40] =	vst v0  }
0x21: {  	[tilespmem:s9+$0x50] =	vst v0  }
0x22: {  	[tilespmem:s9+$0x60] =	vst v0;
	s9 =	sshra.s32 s10, $0x2;
	s10 =	sadd.s32 $0x200, s10  }
0x23: {  	[tilespmem:s9+$0x70] =	vst v0  }
0x24: {  	[tilespmem:s9+$0x0] =	vst v0  }
0x25: {  	[tilespmem:s9+$0x10] =	vst v0  }
0x26: {  	[tilespmem:s9+$0x20] =	vst v0  }
0x27: {  	[tilespmem:s9+$0x30] =	vst v0  }
0x28: {  	[tilespmem:s9+$0x40] =	vst v0  }
0x29: {  	[tilespmem:s9+$0x50] =	vst v0  }
0x2a: {  	[tilespmem:s9+$0x60] =	vst v0;
	s9 =	simm.s32 $0x0  }
0x2b: {  	[spmem:s5] =	stream.linear.scatter [tilespmem:s9], [sflag:$0x9], $0x4000, $0x38;
	[tilespmem:$0x1C200] =	vst v63  }
0x2c: {  	_ =	swait.ge [sflag:s20], $0x4000  }
0x2d: {  	[sflag:s20] =	ssyncset.done $0x0  }
0x2e: {  	[sflag:s20] =	ssyncadd.s32 $0xFFFFC000  }
0x2f: {  	[spmem:s12] =	stream.linear.scatter [tilespmem:s9], [sflag:$0x9], $0x4000, $0x38;
	[tilespmem:$0x1C200] =	vst v63  }
0x30: {  	_ =	swait.ge [sflag:s20], $0x4000  }
0x31: {  	[sflag:s20] =	ssyncset.done $0x0  }
0x32: {  	[sflag:s20] =	ssyncadd.s32 $0xFFFFC000  }
0x33: {  	[spmem:s13] =	stream.linear.scatter [tilespmem:s9], [sflag:$0x9], $0x4000, $0x38;
	[tilespmem:$0x1C200] =	vst v63  }
0x34: {  	_ =	swait.ge [sflag:s20], $0x4000  }
0x35: {  	[sflag:s20] =	ssyncset.done $0x0  }
0x36: {  	[sflag:s20] =	ssyncadd.s32 $0xFFFFC000  }
0x37: {  	[spmem:s14] =	stream.linear.scatter [tilespmem:s9], [sflag:$0x9], $0x4000, $0x38;
	[tilespmem:$0x1C200] =	vst v63  }
0x38: {  	_ =	swait.ge [sflag:s20], $0x4000  }
0x39: {  	[sflag:s20] =	ssyncset.done $0x0  }
0x3a: {  	[sflag:s20] =	ssyncadd.s32 $0xFFFFC000  }
0x3b: {  	[spmem:s15] =	stream.linear.scatter [tilespmem:s9], [sflag:$0x9], $0x4000, $0x38;
	[tilespmem:$0x1C200] =	vst v63  }
0x3c: {  	_ =	swait.ge [sflag:s20], $0x4000  }
0x3d: {  	[sflag:s20] =	ssyncset.done $0x0  }
0x3e: {  	[sflag:s20] =	ssyncadd.s32 $0xFFFFC000  }
0x3f: {  	[bflag:$0x0] =	sbarrier.arrive $0xFFFF  }
0x40: {  	s10 =	rddreg [dreg:$0x4]  }
0x41: {  	[tilespmem:s21], [sflag:$0x5] =	stream.linear.gather [hbm4b:s10+s9], $0x80, $0x38;
	[tilespmem:$0x1C200] =	vst v63  }
0x42: {  	_ =	swait.ge [sflag:s22], $0x80  }
0x43: {  	[sflag:s22] =	ssyncset.done $0x0  }
0x44: {  	s11 =	rddreg [dreg:$0x5];
	[sflag:s22] =	ssyncadd.s32 $0xFFFFFF80  }
0x45: {  	[tilespmem:s23], [sflag:$0x6] =	stream.linear.gather [hbm4b:s11+s9], $0x80, $0x38;
	[tilespmem:$0x1C200] =	vst v63  }
0x46: {  	_ =	swait.ge [sflag:s24], $0x80  }
0x47: {  	[sflag:s24] =	ssyncset.done $0x0  }
0x48: {  	[sflag:s24] =	ssyncadd.s32 $0xFFFFFF80  }
0x49: {  	[tilespmem:s9], [sflag:$0x1] =	stream.indirect.gather [hbm4b:s4+s25], $0x80, s21, s25, $0xb8;
	[tilespmem:$0x1C200] =	vst v63  }
0x4a: {  	_ = 	snop  }
0x4b: {  	[tilespmem:s26], [sflag:$0x2] =	stream.indirect.gather [hbm4b:s4+s25], $0x80, s23, s25, $0xb8;
	[tilespmem:$0x1C200] =	vst v63  }
0x4c: {  	s11 =	rddreg [dreg:$0x6]  }
0x4d: {  	[tilespmem:s28], [sflag:$0x7] =	stream.linear.gather [hbm4b:s11+s9], $0x80, $0x38;
	[tilespmem:$0x1C200] =	vst v63  }
0x4e: {  	s11 =	rddreg [dreg:$0x7]  }
0x4f: {  	[tilespmem:s29], [sflag:$0x8] =	stream.linear.gather [hbm4b:s11+s9], $0x80, $0x38;
	[tilespmem:$0x1C200] =	vst v63  }
0x50: {  	_ =	swait.ge [sflag:s30], $0x4000  }
0x51: {  	[sflag:s30] =	ssyncset.done $0x0  }
0x52: {  	s10 =	sadd.s32 $0x0, s17;
	[sflag:s30] =	ssyncadd.s32 $0xFFFFC000  }
0x53: {  	[tilespmem:s21], [sflag:$0x5] =	stream.linear.gather [hbm4b:s10+s3], $0x80, $0x38;
	[tilespmem:$0x1C200] =	vst v63  }
0x54: {  	_ =	swait.ge [sflag:s31], $0x80  }
0x55: {  	[sflag:s31] =	ssyncset.done $0x0  }
0x56: {  	[sflag:s31] =	ssyncadd.s32 $0xFFFFFF80  }
0x57: {  	[spmem:s1] =	stream.indirect.scatter.add.f32 [tilespmem:s3], [sflag:$0x3], $0x80, s28, s25, $0xb8;
	[tilespmem:$0x1C200] =	vst v63  }
0x58: {  	_ =	swait.ge [sflag:s0], $0x4000  }
0x59: {  	[sflag:s0] =	ssyncset.done $0x0  }
0x5a: {  	[sflag:s0] =	ssyncadd.s32 $0xFFFFC000  }
0x5b: {  	_ =	swait.ge [sflag:s22], $0x80  }
0x5c: {  	[sflag:s22] =	ssyncset.done $0x0  }
0x5d: {  	[sflag:s22] =	ssyncadd.s32 $0xFFFFFF80  }
0x5e: {  	[tilespmem:s3], [sflag:$0x1] =	stream.indirect.gather [hbm4b:s4+s25], $0x80, s21, s25, $0xb8;
	[tilespmem:$0x1C200] =	vst v63  }
0x5f: {  	s11 =	sadd.s32 $0x0, s16  }
0x60: {  	[tilespmem:s28], [sflag:$0x7] =	stream.linear.gather [hbm4b:s11+s3], $0x80, $0x38;
	[tilespmem:$0x1C200] =	vst v63  }
0x61: {  	_ =	swait.ge [sflag:s2], $0x4000  }
0x62: {  	[sflag:s2] =	ssyncset.done $0x0  }
0x63: {  	s10 =	sadd.s32 $0x0, s19;
	[sflag:s2] =	ssyncadd.s32 $0xFFFFC000  }
0x64: {  	[tilespmem:s23], [sflag:$0x6] =	stream.linear.gather [hbm4b:s10+s3], $0x80, $0x38;
	[tilespmem:$0x1C200] =	vst v63  }
0x65: {  	_ =	swait.ge [sflag:s6], $0x80  }
0x66: {  	[sflag:s6] =	ssyncset.done $0x0  }
0x67: {  	[sflag:s6] =	ssyncadd.s32 $0xFFFFFF80  }
0x68: {  	[spmem:s1] =	stream.indirect.scatter.add.f32 [tilespmem:s26], [sflag:$0x4], $0x80, s29, s25, $0xb8;
	[tilespmem:$0x1C200] =	vst v63  }
0x69: {  	_ =	swait.ge [sflag:s7], $0x4000  }
0x6a: {  	[sflag:s7] =	ssyncset.done $0x0  }
0x6b: {  	[sflag:s7] =	ssyncadd.s32 $0xFFFFC000  }
0x6c: {  	_ =	swait.ge [sflag:s24], $0x80  }
0x6d: {  	[sflag:s24] =	ssyncset.done $0x0  }
0x6e: {  	[sflag:s24] =	ssyncadd.s32 $0xFFFFFF80  }
0x6f: {  	[tilespmem:s26], [sflag:$0x2] =	stream.indirect.gather [hbm4b:s4+s25], $0x80, s23, s25, $0xb8;
	[tilespmem:$0x1C200] =	vst v63  }
0x70: {  	s11 =	sadd.s32 $0x0, s18  }
0x71: {  	[tilespmem:s29], [sflag:$0x8] =	stream.linear.gather [hbm4b:s11+s3], $0x80, $0x38;
	[tilespmem:$0x1C200] =	vst v63  }
0x72: {  	_ =	swait.ge [sflag:s30], $0x4000  }
0x73: {  	s9 =	simm.s32 $0x20;
	[sflag:s30] =	ssyncset.done $0x0  }
.LBB2_4:
0x74: {  	p0 =	sne.s32 s9, $0x4C0  }
0x75: {  	[sflag:s30] =	ssyncadd.s32 $0xFFFFC000;
	s10 =	smov.u32 s9;
	s9 =	sadd.s32 $0x20, s9  }
0x76: {  	s11 =	sadd.s32 s10, s17  }
0x77: {  	[tilespmem:s21], [sflag:$0x5] =	stream.linear.gather [hbm4b:s11+s3], $0x80, $0x38;
	[tilespmem:$0x1C200] =	vst v63  }
0x78: {  	_ =	swait.ge [sflag:s31], $0x80  }
0x79: {  	[sflag:s31] =	ssyncset.done $0x0  }
0x7a: {  	[sflag:s31] =	ssyncadd.s32 $0xFFFFFF80  }
0x7b: {  	[spmem:s1] =	stream.indirect.scatter.add.f32 [tilespmem:s3], [sflag:$0x3], $0x80, s28, s25, $0xb8;
	[tilespmem:$0x1C200] =	vst v63  }
0x7c: {  	_ =	swait.ge [sflag:s0], $0x4000  }
0x7d: {  	[sflag:s0] =	ssyncset.done $0x0  }
0x7e: {  	[sflag:s0] =	ssyncadd.s32 $0xFFFFC000  }
0x7f: {  	_ =	swait.ge [sflag:s22], $0x80  }
0x80: {  	[sflag:s22] =	ssyncset.done $0x0  }
0x81: {  	[sflag:s22] =	ssyncadd.s32 $0xFFFFFF80  }
0x82: {  	[tilespmem:s3], [sflag:$0x1] =	stream.indirect.gather [hbm4b:s4+s25], $0x80, s21, s25, $0xb8;
	[tilespmem:$0x1C200] =	vst v63  }
0x83: {  	s11 =	sadd.s32 s10, s16  }
0x84: {  	[tilespmem:s28], [sflag:$0x7] =	stream.linear.gather [hbm4b:s11+s3], $0x80, $0x38;
	[tilespmem:$0x1C200] =	vst v63  }
0x85: {  	_ =	swait.ge [sflag:s2], $0x4000  }
0x86: {  	[sflag:s2] =	ssyncset.done $0x0  }
0x87: {  	s11 =	sadd.s32 s10, s19;
	[sflag:s2] =	ssyncadd.s32 $0xFFFFC000  }
0x88: {  	[tilespmem:s23], [sflag:$0x6] =	stream.linear.gather [hbm4b:s11+s3], $0x80, $0x38;
	[tilespmem:$0x1C200] =	vst v63  }
0x89: {  	_ =	swait.ge [sflag:s6], $0x80  }
0x8a: {  	[sflag:s6] =	ssyncset.done $0x0  }
0x8b: {  	[sflag:s6] =	ssyncadd.s32 $0xFFFFFF80  }
0x8c: {  	[spmem:s1] =	stream.indirect.scatter.add.f32 [tilespmem:s26], [sflag:$0x4], $0x80, s29, s25, $0xb8;
	[tilespmem:$0x1C200] =	vst v63  }
0x8d: {  	_ =	swait.ge [sflag:s7], $0x4000  }
0x8e: {  	[sflag:s7] =	ssyncset.done $0x0  }
0x8f: {  	[sflag:s7] =	ssyncadd.s32 $0xFFFFC000  }
0x90: {  	_ =	swait.ge [sflag:s24], $0x80  }
0x91: {  	[sflag:s24] =	ssyncset.done $0x0  }
0x92: {  	[sflag:s24] =	ssyncadd.s32 $0xFFFFFF80  }
0x93: {  	[tilespmem:s26], [sflag:$0x2] =	stream.indirect.gather [hbm4b:s4+s25], $0x80, s23, s25, $0xb8;
	[tilespmem:$0x1C200] =	vst v63  }
.Ltmp1:
0x94: {  	_ = 	snop;
	(pc) =	sbr.rel @p0 .LBB2_4-.Ltmp1, $4  }
0x95: {  	s10 =	sadd.s32 s10, s18  }
0x96: {  	[tilespmem:s29], [sflag:$0x8] =	stream.linear.gather [hbm4b:s10+s3], $0x80, $0x38;
	[tilespmem:$0x1C200] =	vst v63  }
0x97: {  	_ =	swait.ge [sflag:s30], $0x4000  }
0x98: {  	[sflag:s30] =	ssyncset.done $0x0  }
0x99: {  	[sflag:s30] =	ssyncadd.s32 $0xFFFFC000  }
0x9a: {  	_ =	swait.ge [sflag:s31], $0x80  }
0x9b: {  	[sflag:s31] =	ssyncset.done $0x0  }
0x9c: {  	[sflag:s31] =	ssyncadd.s32 $0xFFFFFF80  }
0x9d: {  	[spmem:s1] =	stream.indirect.scatter.add.f32 [tilespmem:s3], [sflag:$0x3], $0x80, s28, s25, $0xb8;
	[tilespmem:$0x1C200] =	vst v63  }
0x9e: {  	_ =	swait.ge [sflag:s0], $0x4000  }
0x9f: {  	[sflag:s0] =	ssyncset.done $0x0  }
0xa0: {  	[sflag:s0] =	ssyncadd.s32 $0xFFFFC000  }
0xa1: {  	_ =	swait.ge [sflag:s2], $0x4000  }
0xa2: {  	[sflag:s2] =	ssyncset.done $0x0  }
0xa3: {  	[sflag:s2] =	ssyncadd.s32 $0xFFFFC000  }
0xa4: {  	_ =	swait.ge [sflag:s6], $0x80  }
0xa5: {  	[sflag:s6] =	ssyncset.done $0x0  }
0xa6: {  	[sflag:s6] =	ssyncadd.s32 $0xFFFFFF80  }
0xa7: {  	[spmem:s1] =	stream.indirect.scatter.add.f32 [tilespmem:s26], [sflag:$0x4], $0x80, s29, s25, $0xb8;
	[tilespmem:$0x1C200] =	vst v63  }
0xa8: {  	_ =	swait.ge [sflag:s7], $0x4000  }
0xa9: {  	[sflag:s7] =	ssyncset.done $0x0  }
0xaa: {  	s9 =	stileid.u32;
	[sflag:s7] =	ssyncadd.s32 $0xFFFFC000  }
0xab: {  	s9 =	sshll.u32 s9, $0x6;
	[bflag:$0x0] =	sbarrier.arrive $0xFFFF  }
0xac: {  	s10 =	sshrl.u32 s5, $0x3;
	s9 =	sor.u32 $0x1C09, s9;
	s11 =	rddreg [dreg:$0x8]  }
0xad: {  	[hbm:s11], [sflag:s9] =	dma.local [spmem:s10], $0x2800  }
0xae: {  	_ =	swait.ge [sflag:s20], $0x2800  }
0xaf: {  	s8 =	sadd.s32 $0x1, s8;
	s11 =	rddreg [dreg:$0x9]  }
0xb0: {  	p0 =	sne.s32 s8, s11  }
.Ltmp2:
0xb1: {  	_ = 	snop;
	(pc) =	sbr.rel @p0 .LBB2_1-.Ltmp2, $3  }
0xb2: {  	_ =	sdelay $0x1  }
0xb3: {  	[sflag:s20] =	ssyncset.done $0x0  }
0xb4: {  	[sflag:s20] =	ssyncadd.s32 $0xFFFFD800  }
0xb5: {  	_ =	sfence.sel $0x180000  }
0xb6: {  	[bflag:$0x0] =	sbarrier.arrive $0xFFFF  }
0xb7: {  	_ =	strace $0x9000004A  }
0xb8: {  	s0 =	stileid.u32;
	[bflag:$0x2] =	sbarrier.arrive $0xFFFF  }
0xb9: {  	p0 =	sne.s32 s0, $0x0;
	s0 =	rddreg [dreg:$0x3]  }
0xba: {  	s0 =	sadd.s32 @!p0 $0x100000, s0  }
0xbb: {  	[sflag:s0] =	ssyncadd.tile.s32 @!p0 $0x1;
	_ =	shalt  }
.Lfunc_end2:
_tile_overlayer_lowered:
.L_overlay_start_2:
0xbc: {  	(tag) =	ssettag $0x2  }
0xbd: {  	s0 =	rddreg [dreg:$0x0];
	s2 =	stileid.u32  }
0xbe: {  	s1 =	rddreg [dreg:$0x1];
	p0 =	sne.s32 s2, $0x0  }
0xbf: {  	s3 =	rddreg [dreg:$0x2];
	[bflag:$0x3] =	sbarrier.arrive $0xFFFF;
	s2 =	simm.s32 @!p0 $0x1C09  }
0xc0: {  	[timem:s3], [sflag:s2] =	dma.local @!p0 [hbm:s0], s1  }
0xc1: {  	s0 =	simm.s32 @!p0 $0x9  }
0xc2: {  	_ =	swait.ge @!p0 [sflag:s0], s1  }
0xc3: {  	s1 =	ssub.s32 @!p0 $0x0, s1;
	[sflag:s0] =	ssyncset.done @!p0 $0x0  }
0xc4: {  	[sflag:s0] =	ssyncadd.s32 @!p0 s1  }
0xc5: {  	[bflag:$0x3] =	sbarrier.arrive $0xFFFF  }
0xc6: {  	_ =	shalt  }

// kernel: kernel.14.cloned.1.call-start
scs
__scs_entry_jumppad:
0x0: {  	(pc) =	sbr.rel $0x88, $3  }
0x1: {  	(tag) =	ssettag $0x0;
	lr =	simm.s32 $0x1  }
0x2: {  	[smem:$0x3F99] =	sst lr;
	_ =	strace $0xD0000000  }
0x3: {  	_ = 	snop  }
0x4: {  	_ = 	snop  }
0x5: {  	_ = 	snop  }
0x6: {  	_ = 	snop  }
0x7: {  	_ = 	snop  }
__scs_overlays_trampoline_lowered:
0x8: {  	[smem:$0x3FA8] =	sst s0  }
0x9: {  	[smem:$0x3FA9] =	sst s1  }
0xa: {  	[smem:$0x3FAA] =	sst s2  }
0xb: {  	[smem:$0x3FAB] =	sst s3  }
0xc: {  	[smem:$0x3FAC] =	sst s4  }
0xd: {  	[smem:$0x3FAD] =	sst s5  }
0xe: {  	[smem:$0x3FAE] =	sst s6  }
0xf: {  	[smem:$0x3FAF] =	sst s7  }
0x10: {  	[smem:$0x3FB0] =	sst s8  }
0x11: {  	[smem:$0x3FB1] =	sst s9;
	s0 =	simm.s32 @!p0 $0x0  }
0x12: {  	s1 =	sld [smem:$0x3F97];
	s0 =	simm.s32 @p0 $0x1  }
0x13: {  	[smem:$0x3FB2] =	sst s0;
	s0 =	simm.s32 @!p1 $0x0  }
0x14: {  	s2 =	sld [smem:$0x3F96];
	s0 =	simm.s32 @p1 $0x1  }
0x15: {  	[smem:$0x3FB3] =	sst s0;
	s0 =	simm.s32 @!p2 $0x0  }
0x16: {  	s3 =	sld [smem:$0x3FDB];
	s0 =	simm.s32 @p2 $0x1  }
0x17: {  	s4 =	simm.s32 $0x1BF5;
	[smem:$0x3FB5] =	sst s0  }
0x18: {  	s0 =	sld [smem:$0x3F98];
	_ =	swait.ge [sflag:s4], $0x0  }
0x19: {  	s7 =	sld [smem:$0x3F99]  }
0x1a: {  	s8 =	sadd.s32 $0xFFFFE003, lr  }
0x1b: {  	s9 =	sadd.s32 $0xFFFFFEF7, lr;
	s5 =	simm.s32 $0xFFFFFFFF;
	p2 =	slt.u32 s8, $0xFFFFF086  }
0x1c: {  	p1 =	slt.u32 s9, $0xF7A;
	s5 =	simm.s32 @!p2 $0x0  }
0x1d: {  	s5 =	simm.s32 @p1 $0x1;
	p0 =	seq.s32 s7, s2  }
0x1e: {  	s7 =	smul.u32 @!p0 $0xF7A, s2;
	p2 =	seq.s32 @!p0 s5, $0x0  }
0x1f: {  	s9 =	smul.u32 $0xF7A, s1;
	s8 =	simm.s32 @!p0 $0x1BF5;
	p2 =	por !p2, p0  }
0x20: {  	[sflag:s8] =	ssyncset.s32 @!p0 $0xFFFFF086;
	s6 =	sadd.s32 @!p0 s3, s7;
	s7 =	simm.s32 @!p0 $0x108  }
0x21: {  	s3 =	sadd.s32 s3, s9;
	s6 =	sadd.s32 @!p0 $0x88, s6;
	s7 =	simm.s32 @p2 $0x1082  }
0x22: {  	[simem:s7], [sflag:s8] =	dma.local @!p0 [hbm:s6], $0xF7A  }
0x23: {  	s9 =	sor.u32 $0xD0000000, s2;
	s6 =	simm.s32 $0x108;
	_ =	swait.ge @!p0 [sflag:s8], $0x0  }
0x24: {  	s3 =	sadd.s32 $0x88, s3;
	s6 =	simm.s32 @!p1 $0x1082;
	[sflag:s4] =	ssyncset.s32 $0xFFFFF086  }
0x25: {  	[simem:s6], [sflag:s4] =	dma.local [hbm:s3], $0xF7A  }
0x26: {  	[smem:$0x3F99] =	sst s1;
	(tag) =	ssettag s2;
	_ =	strace s9  }
0x27: {  	s1 =	sld [smem:$0x3FA9]  }
0x28: {  	s2 =	sld [smem:$0x3FAA]  }
0x29: {  	s4 =	sld [smem:$0x3FAC]  }
0x2a: {  	p0 =	seq.s32 s5, $0x0;
	s5 =	sld [smem:$0x3FAD]  }
0x2b: {  	s6 =	sld [smem:$0x3FAE]  }
0x2c: {  	s7 =	sld [smem:$0x3FAF]  }
0x2d: {  	s3 =	simm.s32 $0x108;
	s8 =	sld [smem:$0x3FB0]  }
0x2e: {  	s3 =	simm.s32 @!p0 $0x1082;
	s9 =	sld [smem:$0x3FB1]  }
0x2f: {  	lr =	sadd.s32 s0, s3;
	s0 =	sld [smem:$0x3FA8]  }
0x30: {  	s3 =	sld [smem:$0x3FAB]  }
0x31: {  	[smem:$0x3FB4] =	sst s10  }
0x32: {  	s10 =	sld [smem:$0x3FB2];
	_ =	sdelay $0x3  }
0x33: {  	p0 =	seq.s32 s10, $0x1;
	s10 =	sld [smem:$0x3FB4];
	_ =	sdelay $0x3  }
0x34: {  	[smem:$0x3FB4] =	sst s10  }
0x35: {  	s10 =	sld [smem:$0x3FB3];
	_ =	sdelay $0x3  }
0x36: {  	p1 =	seq.s32 s10, $0x1;
	s10 =	sld [smem:$0x3FB4];
	_ =	sdelay $0x3  }
0x37: {  	[smem:$0x3FB4] =	sst s10  }
0x38: {  	s10 =	sld [smem:$0x3FB5]  }
0x39: {  	_ = 	snop;
	(pc) =	sbr.ind lr, $3  }
0x3a: {  	_ = 	snop  }
0x3b: {  	_ = 	snop  }
0x3c: {  	p2 =	seq.s32 s10, $0x1;
	s10 =	sld [smem:$0x3FB4]  }
0x3d: {  	_ =	shalt  }
0x3e: {  	_ =	shalt  }
0x3f: {  	_ =	shalt  }
0x40: {  	_ =	shalt  }
0x41: {  	_ =	shalt  }
0x42: {  	_ =	shalt  }
0x43: {  	_ =	shalt  }
0x44: {  	_ =	shalt  }
0x45: {  	_ =	shalt  }
0x46: {  	_ =	shalt  }
0x47: {  	_ =	shalt  }
0x48: {  	_ =	shalt  }
0x49: {  	_ =	shalt  }
0x4a: {  	_ =	shalt  }
0x4b: {  	_ =	shalt  }
0x4c: {  	_ =	shalt  }
0x4d: {  	_ =	shalt  }
0x4e: {  	_ =	shalt  }
0x4f: {  	_ =	shalt  }
0x50: {  	_ =	shalt  }
0x51: {  	_ =	shalt  }
0x52: {  	_ =	shalt  }
0x53: {  	_ =	shalt  }
0x54: {  	_ =	shalt  }
0x55: {  	_ =	shalt  }
0x56: {  	_ =	shalt  }
0x57: {  	_ =	shalt  }
0x58: {  	_ =	shalt  }
0x59: {  	_ =	shalt  }
0x5a: {  	_ =	shalt  }
0x5b: {  	_ =	shalt  }
0x5c: {  	_ =	shalt  }
0x5d: {  	_ =	shalt  }
0x5e: {  	_ =	shalt  }
0x5f: {  	_ =	shalt  }
0x60: {  	_ =	shalt  }
0x61: {  	_ =	shalt  }
0x62: {  	_ =	shalt  }
0x63: {  	_ =	shalt  }
0x64: {  	_ =	shalt  }
0x65: {  	_ =	shalt  }
0x66: {  	_ =	shalt  }
0x67: {  	_ =	shalt  }
0x68: {  	_ =	shalt  }
0x69: {  	_ =	shalt  }
0x6a: {  	_ =	shalt  }
0x6b: {  	_ =	shalt  }
0x6c: {  	_ =	shalt  }
0x6d: {  	_ =	shalt  }
0x6e: {  	_ =	shalt  }
0x6f: {  	_ =	shalt  }
0x70: {  	_ =	shalt  }
0x71: {  	_ =	shalt  }
0x72: {  	_ =	shalt  }
0x73: {  	_ =	shalt  }
0x74: {  	_ =	shalt  }
0x75: {  	_ =	shalt  }
0x76: {  	_ =	shalt  }
0x77: {  	_ =	shalt  }
0x78: {  	_ =	shalt  }
0x79: {  	_ =	shalt  }
0x7a: {  	_ =	shalt  }
0x7b: {  	_ =	shalt  }
0x7c: {  	_ =	shalt  }
0x7d: {  	_ =	shalt  }
0x7e: {  	_ =	shalt  }
0x7f: {  	_ =	shalt  }
0x80: {  	_ =	shalt  }
0x81: {  	_ =	shalt  }
0x82: {  	_ =	shalt  }
0x83: {  	_ =	shalt  }
0x84: {  	_ =	shalt  }
0x85: {  	_ =	shalt  }
0x86: {  	_ =	shalt  }
0x87: {  	_ =	shalt  }
.Lfunc_end0:
.L_simem_size_0:
called_computation.2_lowered:
.L_overlay_start_0:
0x88: {  	s2 =	sld [smem:$0x3FD9]  }
0x89: {  	s3 =	sld [smem:$0x3FFE];
	_ =	sdelay $0x1  }
0x8a: {  	s1 =	srdreg.scid  }
0x8b: {  	s0 =	sand.u32 $0x1, s1  }
0x8c: {  	s17 =	sshll.u32 s0, $0xA;
	s2 =	sadd.s32 s3, s2  }
0x8d: {  	s2 =	sadd.s32 s2, s17  }
0x8e: {  	[smem:$0x3FC0] =	sst s2  }
0x8f: {  	_ = 	snop  }
0x90: {  	s2 =	sld [smem:$0x3FD0];
	(tm) =	ssettm $0x1  }
0x91: {  	s18 =	sld [smem:$0x3FFB];
	_ =	sdelay $0x3  }
0x92: {  	_ =	strace s18  }
0x93: {  	s3 =	sld [smem:$0x3FFC];
	_ =	sdelay $0x3  }
0x94: {  	_ =	strace s3  }
0x95: {  	s3 =	sld [smem:$0x3FFD];
	_ =	sdelay $0x3  }
0x96: {  	_ =	strace s3  }
0x97: {  	_ =	strace $0x8FFFFFFF  }
0x98: {  	s19 =	sld [smem:$0x3FDB];
	_ =	sdelay $0x1  }
0x99: {  	s4 =	simm.s32 $_scs_section_size  }
0x9a: {  	s5 =	simm.s32 $_size__tile_overlayer_lowered;
	s6 =	simm.s32 $_tile_overlayer_lowered  }
0x9b: {  	s22 =	simm.s32 $0x1BFF;
	s21 =	sshll.u32 s6, $0x1;
	s3 =	sadd.s32 s4, s19  }
0x9c: {  	s7 =	simm.s32 $0x0;
	s20 =	sshll.u32 s5, $0x1;
	s5 =	sadd.s32 s21, s3  }
0x9d: {  	[timem:s7], [sflag:s22] =	dma.local [hbm:s5], s20  }
0x9e: {  	_ =	swait.ge [sflag:s22], s20  }
0x9f: {  	s4 =	ssub.s32 $0x0, s20;
	[sflag:s22] =	ssyncset.done $0x0  }
0xa0: {  	[sflag:s22] =	ssyncadd.s32 s4;
	_ =	sdelay $0x1  }
0xa1: {  	s23 =	simm.s32 $0x1B8B  }
0xa2: {  	_ =	swait.ge [sflag:s23], $0x1  }
0xa3: {  	[sflag:s23] =	ssyncset.done $0x0  }
0xa4: {  	s25 =	simm.s32 $0x1B8E;
	s24 =	sld [smem:$0x3FFE];
	[sflag:s23] =	ssyncadd.s32 $0xFFFFFFFF  }
0xa5: {  	s26 =	simm.s32 $execute0_lowered;
	[smem:$0x3FD2] =	sst s25  }
0xa6: {  	s5 =	sshll.u32 s26, $0x1;
	_ =	strace $0x8000004C;
	[dreg:$0x1] =	wrdreg $0xFFFFFFFF  }
0xa7: {  	s28 =	simm.s32 $_size_execute0_lowered;
	s3 =	sadd.s32 s3, s5;
	[dreg:$0x0] =	wrdreg $0x0  }
0xa8: {  	s5 =	sshll.u32 s28, $0x1;
	[dreg:$0x2] =	wrdreg s3  }
0xa9: {  	[dreg:$0x3] =	wrdreg s5  }
0xaa: {  	[dreg:$0x4] =	wrdreg $0xC0  }
0xab: {  	_ =	task [dreg:s7], $0x5FFFF  }
0xac: {  	[dreg:$0x1] =	wrdreg $0xFFFFFFFF  }
0xad: {  	[dreg:$0x0] =	wrdreg $0x60  }
0xae: {  	[dreg:$0x2] =	wrdreg s24  }
0xaf: {  	[dreg:$0x3] =	wrdreg s2  }
0xb0: {  	[dreg:$0x4] =	wrdreg $0x82000  }
0xb1: {  	[dreg:$0x5] =	wrdreg $0x9  }
0xb2: {  	_ =	task.clear_ibuf [dreg:s7], $0x6FFFF;
	_ =	strace $0x9000004C  }
0xb3: {  	s29 =	simm.s32 $0x9;
	_ =	strace $0x8000004E  }
0xb4: {  	_ =	swait.ge [sflag:s29], $0x1  }
0xb5: {  	[sflag:s29] =	ssyncadd.s32 $0xFFFFFFFF  }
0xb6: {  	_ =	strace $0x9000004E  }
0xb7: {  	_ =	sfence  }
0xb8: {  	s30 =	sld [smem:$0x0];
	_ =	sdelay $0x2  }
0xb9: {  	s31 =	sshll.u32 s1, $0xD;
	s1 =	sshrl.u32 s1, $0x2  }
0xba: {  	s3 =	sand.u32 $0x4000, s31;
	s1 =	sadd.s32 s1, s30  }
0xbb: {  	s0 =	sor.u32 s3, s0;
	s1 =	sshll.u32 s1, $0x11  }
0xbc: {  	s0 =	sor.u32 s1, s0  }
0xbd: {  	s0 =	sadd.s32 $0x8F2B, s0  }
0xbe: {  	[sflag:s0] =	ssyncadd.remote.s32 $0x1  }
0xbf: {  	_ =	sfence.sel $0xFFFF  }
0xc0: {  	[dreg:$0x0] =	wrdreg $0xFFFFFFFF;
	(pc) =	sbr.abs _section_cstart, $3  }
0xc1: {  	[dreg:$0x1] =	wrdreg $0xFFFFFFFF  }
0xc2: {  	_ =	task.clear_ibuf [dreg:s7], $0x2FFFF;
	_ =	strace $0x9FFFFFFF  }
0xc3: {  	(tm) =	ssettm $0x7FFFFFFF  }
tec
execute0_lowered:
.L_overlay_start_1:
0x0: {  	(tag) =	ssettag $0x1  }
0x1: {  	s0 =	rddreg [dreg:$0x0]  }
0x2: {  	s2 =	rddreg [dreg:$0x1]  }
0x3: {  	s1 =	rddreg [dreg:$0x2];
	s3 =	srdreg.scid  }
0x4: {  	s11 =	stileid.u32;
	s28 =	simm.s32 $0x8100;
	s29 =	simm.s32 $0x8180  }
0x5: {  	s30 =	simm.s32 $0x1;
	s31 =	simm.s32 $0x7;
	s7 =	smul.u32 $0x14000, s11  }
0x6: {  	s6 =	sand.u32 $0x1, s3;
	s3 =	simm.s32 $0x0;
	s18 =	smul.u32 $0x50000, s11  }
0x7: {  	s4 =	sadd.s32 $0xC200, s0;
	s8 =	sshll.u32 s11, $0x1;
	s13 =	smul.u32 $0x5000, s11  }
0x8: {  	s10 =	sadd.s32 $0x2200, s0;
	s5 =	smul.u32 $0x140000, s6;
	[smem:$0x7FF] =	sst s3  }
0x9: {  	s17 =	sor.u32 s6, s8;
	s9 =	ssub.s32 $0x2, s6;
	s6 =	smul.u32 $0x2800, s6  }
0xa: {  	s8 =	simm.s32 $0x0;
	_ =	strace $0x8000004D;
	s19 =	sshrl.u32 s9, $0x1  }
0xb: {  	s20 =	sshrl.u32 s18, $0x2;
	s5 =	sadd.s32 s7, s5;
	s7 =	smul.u32 $0x2800, s17  }
0xc: {  	s9 =	ssub.s32 s9, s19;
	s26 =	sadd.s32 s6, s13;
	s5 =	sshrl.u32 s5, $0x3  }
0xd: {  	s25 =	smax.u32 s9, $0x1;
	s6 =	sor.u32 $0x100, s26;
	s0 =	sadd.s32 s5, s0  }
0xe: {  	s7 =	sshrl.u32 s7, $0x3;
	s5 =	sadd.s32 s20, s1;
	[dreg:$0x9] =	wrdreg s25  }
0xf: {  	s6 =	sshrl.u32 s6, $0x3;
	s20 =	simm.s32 $0x9;
	s25 =	simm.s32 $0x80  }
0x10: {  	s21 =	sor.u32 $0x10, s7;
	s22 =	sadd.s32 s10, s7;
	s7 =	sadd.s32 s2, s7  }
0x11: {  	s0 =	sadd.s32 $0x33400, s0;
	s12 =	sadd.s32 $0x4000, s5;
	s13 =	sadd.s32 $0x8000, s5  }
0x12: {  	s14 =	sadd.s32 $0xC000, s5;
	s15 =	sadd.s32 $0x10000, s5;
	s16 =	sadd.s32 s6, s2  }
0x13: {  	s17 =	sadd.s32 s6, s10;
	s6 =	simm.s32 $0x8;
	[dreg:$0x4] =	wrdreg s22  }
0x14: {  	s23 =	sadd.s32 s10, s21;
	[dreg:$0x6] =	wrdreg s7;
	s24 =	sadd.s32 s2, s21  }
0x15: {  	[dreg:$0x8] =	wrdreg s0;
	s0 =	sor.u32 $0x180, s26;
	s21 =	simm.s32 $0x8000  }
0x16: {  	s22 =	simm.s32 $0x5;
	s26 =	simm.s32 $0x4000;
	[dreg:$0x5] =	wrdreg s23  }
0x17: {  	s7 =	simm.s32 $0x4;
	[dreg:$0x7] =	wrdreg s24;
	s0 =	sshrl.u32 s0, $0x3  }
0x18: {  	s23 =	simm.s32 $0x8080;
	s24 =	simm.s32 $0x6;
	s18 =	sadd.s32 s0, s2  }
0x19: {  	v0 =	vimm.f32 $0.0e+00;
	s19 =	sadd.s32 s0, s10;
	s0 =	simm.s32 $0x3;
	s2 =	simm.s32 $0x2  }
.LBB2_1:
0x1a: {  	s9 =	simm.s32 $0x0;
	s10 =	simm.s32 $0x200  }
.LBB2_2:
0x1b: {  	p0 =	sne.s32 s10, $0xFE00;
	[tilespmem:s9+$0x70] =	vst v0  }
0x1c: {  	[tilespmem:s9+$0x0] =	vst v0  }
0x1d: {  	[tilespmem:s9+$0x10] =	vst v0  }
.Ltmp0:
0x1e: {  	[tilespmem:s9+$0x20] =	vst v0;
	(pc) =	sbr.rel @p0 .LBB2_2-.Ltmp0, $4  }
0x1f: {  	[tilespmem:s9+$0x30] =	vst v0  }
0x20: {  	[tilespmem:s9+$0x40] =	vst v0  }
0x21: {  	[tilespmem:s9+$0x50] =	vst v0  }
0x22: {  	[tilespmem:s9+$0x60] =	vst v0;
	s9 =	sshra.s32 s10, $0x2;
	s10 =	sadd.s32 $0x200, s10  }
0x23: {  	[tilespmem:s9+$0x70] =	vst v0  }
0x24: {  	[tilespmem:s9+$0x0] =	vst v0  }
0x25: {  	[tilespmem:s9+$0x10] =	vst v0  }
0x26: {  	[tilespmem:s9+$0x20] =	vst v0  }
0x27: {  	[tilespmem:s9+$0x30] =	vst v0  }
0x28: {  	[tilespmem:s9+$0x40] =	vst v0  }
0x29: {  	[tilespmem:s9+$0x50] =	vst v0  }
0x2a: {  	[tilespmem:s9+$0x60] =	vst v0;
	s9 =	simm.s32 $0x0  }
0x2b: {  	[spmem:s5] =	stream.linear.scatter [tilespmem:s9], [sflag:$0x9], $0x4000, $0x38;
	[tilespmem:$0x1C200] =	vst v63  }
0x2c: {  	_ =	swait.ge [sflag:s20], $0x4000  }
0x2d: {  	[sflag:s20] =	ssyncset.done $0x0  }
0x2e: {  	[sflag:s20] =	ssyncadd.s32 $0xFFFFC000  }
0x2f: {  	[spmem:s12] =	stream.linear.scatter [tilespmem:s9], [sflag:$0x9], $0x4000, $0x38;
	[tilespmem:$0x1C200] =	vst v63  }
0x30: {  	_ =	swait.ge [sflag:s20], $0x4000  }
0x31: {  	[sflag:s20] =	ssyncset.done $0x0  }
0x32: {  	[sflag:s20] =	ssyncadd.s32 $0xFFFFC000  }
0x33: {  	[spmem:s13] =	stream.linear.scatter [tilespmem:s9], [sflag:$0x9], $0x4000, $0x38;
	[tilespmem:$0x1C200] =	vst v63  }
0x34: {  	_ =	swait.ge [sflag:s20], $0x4000  }
0x35: {  	[sflag:s20] =	ssyncset.done $0x0  }
0x36: {  	[sflag:s20] =	ssyncadd.s32 $0xFFFFC000  }
0x37: {  	[spmem:s14] =	stream.linear.scatter [tilespmem:s9], [sflag:$0x9], $0x4000, $0x38;
	[tilespmem:$0x1C200] =	vst v63  }
0x38: {  	_ =	swait.ge [sflag:s20], $0x4000  }
0x39: {  	[sflag:s20] =	ssyncset.done $0x0  }
0x3a: {  	[sflag:s20] =	ssyncadd.s32 $0xFFFFC000  }
0x3b: {  	[spmem:s15] =	stream.linear.scatter [tilespmem:s9], [sflag:$0x9], $0x4000, $0x38;
	[tilespmem:$0x1C200] =	vst v63  }
0x3c: {  	_ =	swait.ge [sflag:s20], $0x4000  }
0x3d: {  	[sflag:s20] =	ssyncset.done $0x0  }
0x3e: {  	[sflag:s20] =	ssyncadd.s32 $0xFFFFC000  }
0x3f: {  	[bflag:$0x0] =	sbarrier.arrive $0xFFFF  }
0x40: {  	s10 =	rddreg [dreg:$0x4]  }
0x41: {  	[tilespmem:s21], [sflag:$0x5] =	stream.linear.gather [hbm4b:s10+s9], $0x80, $0x38;
	[tilespmem:$0x1C200] =	vst v63  }
0x42: {  	_ =	swait.ge [sflag:s22], $0x80  }
0x43: {  	[sflag:s22] =	ssyncset.done $0x0  }
0x44: {  	s11 =	rddreg [dreg:$0x5];
	[sflag:s22] =	ssyncadd.s32 $0xFFFFFF80  }
0x45: {  	[tilespmem:s23], [sflag:$0x6] =	stream.linear.gather [hbm4b:s11+s9], $0x80, $0x38;
	[tilespmem:$0x1C200] =	vst v63  }
0x46: {  	_ =	swait.ge [sflag:s24], $0x80  }
0x47: {  	[sflag:s24] =	ssyncset.done $0x0  }
0x48: {  	[sflag:s24] =	ssyncadd.s32 $0xFFFFFF80  }
0x49: {  	[tilespmem:s9], [sflag:$0x1] =	stream.indirect.gather [hbm4b:s4+s25], $0x80, s21, s25, $0xb8;
	[tilespmem:$0x1C200] =	vst v63  }
0x4a: {  	_ = 	snop  }
0x4b: {  	[tilespmem:s26], [sflag:$0x2] =	stream.indirect.gather [hbm4b:s4+s25], $0x80, s23, s25, $0xb8;
	[tilespmem:$0x1C200] =	vst v63  }
0x4c: {  	s11 =	rddreg [dreg:$0x6]  }
0x4d: {  	[tilespmem:s28], [sflag:$0x7] =	stream.linear.gather [hbm4b:s11+s9], $0x80, $0x38;
	[tilespmem:$0x1C200] =	vst v63  }
0x4e: {  	s11 =	rddreg [dreg:$0x7]  }
0x4f: {  	[tilespmem:s29], [sflag:$0x8] =	stream.linear.gather [hbm4b:s11+s9], $0x80, $0x38;
	[tilespmem:$0x1C200] =	vst v63  }
0x50: {  	_ =	swait.ge [sflag:s30], $0x4000  }
0x51: {  	[sflag:s30] =	ssyncset.done $0x0  }
0x52: {  	s10 =	sadd.s32 $0x0, s17;
	[sflag:s30] =	ssyncadd.s32 $0xFFFFC000  }
0x53: {  	[tilespmem:s21], [sflag:$0x5] =	stream.linear.gather [hbm4b:s10+s3], $0x80, $0x38;
	[tilespmem:$0x1C200] =	vst v63  }
0x54: {  	_ =	swait.ge [sflag:s31], $0x80  }
0x55: {  	[sflag:s31] =	ssyncset.done $0x0  }
0x56: {  	[sflag:s31] =	ssyncadd.s32 $0xFFFFFF80  }
0x57: {  	[spmem:s1] =	stream.indirect.scatter.add.f32 [tilespmem:s3], [sflag:$0x3], $0x80, s28, s25, $0xb8;
	[tilespmem:$0x1C200] =	vst v63  }
0x58: {  	_ =	swait.ge [sflag:s0], $0x4000  }
0x59: {  	[sflag:s0] =	ssyncset.done $0x0  }
0x5a: {  	[sflag:s0] =	ssyncadd.s32 $0xFFFFC000  }
0x5b: {  	_ =	swait.ge [sflag:s22], $0x80  }
0x5c: {  	[sflag:s22] =	ssyncset.done $0x0  }
0x5d: {  	[sflag:s22] =	ssyncadd.s32 $0xFFFFFF80  }
0x5e: {  	[tilespmem:s3], [sflag:$0x1] =	stream.indirect.gather [hbm4b:s4+s25], $0x80, s21, s25, $0xb8;
	[tilespmem:$0x1C200] =	vst v63  }
0x5f: {  	s11 =	sadd.s32 $0x0, s16  }
0x60: {  	[tilespmem:s28], [sflag:$0x7] =	stream.linear.gather [hbm4b:s11+s3], $0x80, $0x38;
	[tilespmem:$0x1C200] =	vst v63  }
0x61: {  	_ =	swait.ge [sflag:s2], $0x4000  }
0x62: {  	[sflag:s2] =	ssyncset.done $0x0  }
0x63: {  	s10 =	sadd.s32 $0x0, s19;
	[sflag:s2] =	ssyncadd.s32 $0xFFFFC000  }
0x64: {  	[tilespmem:s23], [sflag:$0x6] =	stream.linear.gather [hbm4b:s10+s3], $0x80, $0x38;
	[tilespmem:$0x1C200] =	vst v63  }
0x65: {  	_ =	swait.ge [sflag:s6], $0x80  }
0x66: {  	[sflag:s6] =	ssyncset.done $0x0  }
0x67: {  	[sflag:s6] =	ssyncadd.s32 $0xFFFFFF80  }
0x68: {  	[spmem:s1] =	stream.indirect.scatter.add.f32 [tilespmem:s26], [sflag:$0x4], $0x80, s29, s25, $0xb8;
	[tilespmem:$0x1C200] =	vst v63  }
0x69: {  	_ =	swait.ge [sflag:s7], $0x4000  }
0x6a: {  	[sflag:s7] =	ssyncset.done $0x0  }
0x6b: {  	[sflag:s7] =	ssyncadd.s32 $0xFFFFC000  }
0x6c: {  	_ =	swait.ge [sflag:s24], $0x80  }
0x6d: {  	[sflag:s24] =	ssyncset.done $0x0  }
0x6e: {  	[sflag:s24] =	ssyncadd.s32 $0xFFFFFF80  }
0x6f: {  	[tilespmem:s26], [sflag:$0x2] =	stream.indirect.gather [hbm4b:s4+s25], $0x80, s23, s25, $0xb8;
	[tilespmem:$0x1C200] =	vst v63  }
0x70: {  	s11 =	sadd.s32 $0x0, s18  }
0x71: {  	[tilespmem:s29], [sflag:$0x8] =	stream.linear.gather [hbm4b:s11+s3], $0x80, $0x38;
	[tilespmem:$0x1C200] =	vst v63  }
0x72: {  	_ =	swait.ge [sflag:s30], $0x4000  }
0x73: {  	s9 =	simm.s32 $0x20;
	[sflag:s30] =	ssyncset.done $0x0  }
.LBB2_4:
0x74: {  	p0 =	sne.s32 s9, $0x4C0  }
0x75: {  	[sflag:s30] =	ssyncadd.s32 $0xFFFFC000;
	s10 =	smov.u32 s9;
	s9 =	sadd.s32 $0x20, s9  }
0x76: {  	s11 =	sadd.s32 s10, s17  }
0x77: {  	[tilespmem:s21], [sflag:$0x5] =	stream.linear.gather [hbm4b:s11+s3], $0x80, $0x38;
	[tilespmem:$0x1C200] =	vst v63  }
0x78: {  	_ =	swait.ge [sflag:s31], $0x80  }
0x79: {  	[sflag:s31] =	ssyncset.done $0x0  }
0x7a: {  	[sflag:s31] =	ssyncadd.s32 $0xFFFFFF80  }
0x7b: {  	[spmem:s1] =	stream.indirect.scatter.add.f32 [tilespmem:s3], [sflag:$0x3], $0x80, s28, s25, $0xb8;
	[tilespmem:$0x1C200] =	vst v63  }
0x7c: {  	_ =	swait.ge [sflag:s0], $0x4000  }
0x7d: {  	[sflag:s0] =	ssyncset.done $0x0  }
0x7e: {  	[sflag:s0] =	ssyncadd.s32 $0xFFFFC000  }
0x7f: {  	_ =	swait.ge [sflag:s22], $0x80  }
0x80: {  	[sflag:s22] =	ssyncset.done $0x0  }
0x81: {  	[sflag:s22] =	ssyncadd.s32 $0xFFFFFF80  }
0x82: {  	[tilespmem:s3], [sflag:$0x1] =	stream.indirect.gather [hbm4b:s4+s25], $0x80, s21, s25, $0xb8;
	[tilespmem:$0x1C200] =	vst v63  }
0x83: {  	s11 =	sadd.s32 s10, s16  }
0x84: {  	[tilespmem:s28], [sflag:$0x7] =	stream.linear.gather [hbm4b:s11+s3], $0x80, $0x38;
	[tilespmem:$0x1C200] =	vst v63  }
0x85: {  	_ =	swait.ge [sflag:s2], $0x4000  }
0x86: {  	[sflag:s2] =	ssyncset.done $0x0  }
0x87: {  	s11 =	sadd.s32 s10, s19;
	[sflag:s2] =	ssyncadd.s32 $0xFFFFC000  }
0x88: {  	[tilespmem:s23], [sflag:$0x6] =	stream.linear.gather [hbm4b:s11+s3], $0x80, $0x38;
	[tilespmem:$0x1C200] =	vst v63  }
0x89: {  	_ =	swait.ge [sflag:s6], $0x80  }
0x8a: {  	[sflag:s6] =	ssyncset.done $0x0  }
0x8b: {  	[sflag:s6] =	ssyncadd.s32 $0xFFFFFF80  }
0x8c: {  	[spmem:s1] =	stream.indirect.scatter.add.f32 [tilespmem:s26], [sflag:$0x4], $0x80, s29, s25, $0xb8;
	[tilespmem:$0x1C200] =	vst v63  }
0x8d: {  	_ =	swait.ge [sflag:s7], $0x4000  }
0x8e: {  	[sflag:s7] =	ssyncset.done $0x0  }
0x8f: {  	[sflag:s7] =	ssyncadd.s32 $0xFFFFC000  }
0x90: {  	_ =	swait.ge [sflag:s24], $0x80  }
0x91: {  	[sflag:s24] =	ssyncset.done $0x0  }
0x92: {  	[sflag:s24] =	ssyncadd.s32 $0xFFFFFF80  }
0x93: {  	[tilespmem:s26], [sflag:$0x2] =	stream.indirect.gather [hbm4b:s4+s25], $0x80, s23, s25, $0xb8;
	[tilespmem:$0x1C200] =	vst v63  }
.Ltmp1:
0x94: {  	_ = 	snop;
	(pc) =	sbr.rel @p0 .LBB2_4-.Ltmp1, $4  }
0x95: {  	s10 =	sadd.s32 s10, s18  }
0x96: {  	[tilespmem:s29], [sflag:$0x8] =	stream.linear.gather [hbm4b:s10+s3], $0x80, $0x38;
	[tilespmem:$0x1C200] =	vst v63  }
0x97: {  	_ =	swait.ge [sflag:s30], $0x4000  }
0x98: {  	[sflag:s30] =	ssyncset.done $0x0  }
0x99: {  	[sflag:s30] =	ssyncadd.s32 $0xFFFFC000  }
0x9a: {  	_ =	swait.ge [sflag:s31], $0x80  }
0x9b: {  	[sflag:s31] =	ssyncset.done $0x0  }
0x9c: {  	[sflag:s31] =	ssyncadd.s32 $0xFFFFFF80  }
0x9d: {  	[spmem:s1] =	stream.indirect.scatter.add.f32 [tilespmem:s3], [sflag:$0x3], $0x80, s28, s25, $0xb8;
	[tilespmem:$0x1C200] =	vst v63  }
0x9e: {  	_ =	swait.ge [sflag:s0], $0x4000  }
0x9f: {  	[sflag:s0] =	ssyncset.done $0x0  }
0xa0: {  	[sflag:s0] =	ssyncadd.s32 $0xFFFFC000  }
0xa1: {  	_ =	swait.ge [sflag:s2], $0x4000  }
0xa2: {  	[sflag:s2] =	ssyncset.done $0x0  }
0xa3: {  	[sflag:s2] =	ssyncadd.s32 $0xFFFFC000  }
0xa4: {  	_ =	swait.ge [sflag:s6], $0x80  }
0xa5: {  	[sflag:s6] =	ssyncset.done $0x0  }
0xa6: {  	[sflag:s6] =	ssyncadd.s32 $0xFFFFFF80  }
0xa7: {  	[spmem:s1] =	stream.indirect.scatter.add.f32 [tilespmem:s26], [sflag:$0x4], $0x80, s29, s25, $0xb8;
	[tilespmem:$0x1C200] =	vst v63  }
0xa8: {  	_ =	swait.ge [sflag:s7], $0x4000  }
0xa9: {  	[sflag:s7] =	ssyncset.done $0x0  }
0xaa: {  	s9 =	stileid.u32;
	[sflag:s7] =	ssyncadd.s32 $0xFFFFC000  }
0xab: {  	s9 =	sshll.u32 s9, $0x6;
	[bflag:$0x0] =	sbarrier.arrive $0xFFFF  }
0xac: {  	s10 =	sshrl.u32 s5, $0x3;
	s9 =	sor.u32 $0x1C09, s9;
	s11 =	rddreg [dreg:$0x8]  }
0xad: {  	[hbm:s11], [sflag:s9] =	dma.local [spmem:s10], $0x2800  }
0xae: {  	_ =	swait.ge [sflag:s20], $0x2800  }
0xaf: {  	s8 =	sadd.s32 $0x1, s8;
	s11 =	rddreg [dreg:$0x9]  }
0xb0: {  	p0 =	sne.s32 s8, s11  }
.Ltmp2:
0xb1: {  	_ = 	snop;
	(pc) =	sbr.rel @p0 .LBB2_1-.Ltmp2, $3  }
0xb2: {  	_ =	sdelay $0x1  }
0xb3: {  	[sflag:s20] =	ssyncset.done $0x0  }
0xb4: {  	[sflag:s20] =	ssyncadd.s32 $0xFFFFD800  }
0xb5: {  	_ =	sfence.sel $0x180000  }
0xb6: {  	[bflag:$0x0] =	sbarrier.arrive $0xFFFF  }
0xb7: {  	_ =	strace $0x9000004D  }
0xb8: {  	s0 =	stileid.u32;
	[bflag:$0x2] =	sbarrier.arrive $0xFFFF  }
0xb9: {  	p0 =	sne.s32 s0, $0x0;
	s0 =	rddreg [dreg:$0x3]  }
0xba: {  	s0 =	sadd.s32 @!p0 $0x100000, s0  }
0xbb: {  	[sflag:s0] =	ssyncadd.tile.s32 @!p0 $0x1;
	_ =	shalt  }
.Lfunc_end2:
_tile_overlayer_lowered:
.L_overlay_start_2:
0xbc: {  	(tag) =	ssettag $0x2  }
0xbd: {  	s0 =	rddreg [dreg:$0x0];
	s2 =	stileid.u32  }
0xbe: {  	s1 =	rddreg [dreg:$0x1];
	p0 =	sne.s32 s2, $0x0  }
0xbf: {  	s3 =	rddreg [dreg:$0x2];
	[bflag:$0x3] =	sbarrier.arrive $0xFFFF;
	s2 =	simm.s32 @!p0 $0x1C09  }
0xc0: {  	[timem:s3], [sflag:s2] =	dma.local @!p0 [hbm:s0], s1  }
0xc1: {  	s0 =	simm.s32 @!p0 $0x9  }
0xc2: {  	_ =	swait.ge @!p0 [sflag:s0], s1  }
0xc3: {  	s1 =	ssub.s32 @!p0 $0x0, s1;
	[sflag:s0] =	ssyncset.done @!p0 $0x0  }
0xc4: {  	[sflag:s0] =	ssyncadd.s32 @!p0 s1  }
0xc5: {  	[bflag:$0x3] =	sbarrier.arrive $0xFFFF  }
0xc6: {  	_ =	shalt  }

// kernel: kernel.8.cloned.1.call-start
scs
__scs_entry_jumppad:
0x0: {  	(pc) =	sbr.rel $0x88, $3  }
0x1: {  	(tag) =	ssettag $0x0;
	lr =	simm.s32 $0x1  }
0x2: {  	[smem:$0x3F99] =	sst lr;
	_ =	strace $0xD0000000  }
0x3: {  	_ = 	snop  }
0x4: {  	_ = 	snop  }
0x5: {  	_ = 	snop  }
0x6: {  	_ = 	snop  }
0x7: {  	_ = 	snop  }
__scs_overlays_trampoline_lowered:
0x8: {  	[smem:$0x3FA8] =	sst s0  }
0x9: {  	[smem:$0x3FA9] =	sst s1  }
0xa: {  	[smem:$0x3FAA] =	sst s2  }
0xb: {  	[smem:$0x3FAB] =	sst s3  }
0xc: {  	[smem:$0x3FAC] =	sst s4  }
0xd: {  	[smem:$0x3FAD] =	sst s5  }
0xe: {  	[smem:$0x3FAE] =	sst s6  }
0xf: {  	[smem:$0x3FAF] =	sst s7  }
0x10: {  	[smem:$0x3FB0] =	sst s8  }
0x11: {  	[smem:$0x3FB1] =	sst s9;
	s0 =	simm.s32 @!p0 $0x0  }
0x12: {  	s1 =	sld [smem:$0x3F97];
	s0 =	simm.s32 @p0 $0x1  }
0x13: {  	[smem:$0x3FB2] =	sst s0;
	s0 =	simm.s32 @!p1 $0x0  }
0x14: {  	s2 =	sld [smem:$0x3F96];
	s0 =	simm.s32 @p1 $0x1  }
0x15: {  	[smem:$0x3FB3] =	sst s0;
	s0 =	simm.s32 @!p2 $0x0  }
0x16: {  	s3 =	sld [smem:$0x3FDB];
	s0 =	simm.s32 @p2 $0x1  }
0x17: {  	s4 =	simm.s32 $0x1BF5;
	[smem:$0x3FB5] =	sst s0  }
0x18: {  	s0 =	sld [smem:$0x3F98];
	_ =	swait.ge [sflag:s4], $0x0  }
0x19: {  	s7 =	sld [smem:$0x3F99]  }
0x1a: {  	s8 =	sadd.s32 $0xFFFFE003, lr  }
0x1b: {  	s9 =	sadd.s32 $0xFFFFFEF7, lr;
	s5 =	simm.s32 $0xFFFFFFFF;
	p2 =	slt.u32 s8, $0xFFFFF086  }
0x1c: {  	p1 =	slt.u32 s9, $0xF7A;
	s5 =	simm.s32 @!p2 $0x0  }
0x1d: {  	s5 =	simm.s32 @p1 $0x1;
	p0 =	seq.s32 s7, s2  }
0x1e: {  	s7 =	smul.u32 @!p0 $0xF7A, s2;
	p2 =	seq.s32 @!p0 s5, $0x0  }
0x1f: {  	s9 =	smul.u32 $0xF7A, s1;
	s8 =	simm.s32 @!p0 $0x1BF5;
	p2 =	por !p2, p0  }
0x20: {  	[sflag:s8] =	ssyncset.s32 @!p0 $0xFFFFF086;
	s6 =	sadd.s32 @!p0 s3, s7;
	s7 =	simm.s32 @!p0 $0x108  }
0x21: {  	s3 =	sadd.s32 s3, s9;
	s6 =	sadd.s32 @!p0 $0x88, s6;
	s7 =	simm.s32 @p2 $0x1082  }
0x22: {  	[simem:s7], [sflag:s8] =	dma.local @!p0 [hbm:s6], $0xF7A  }
0x23: {  	s9 =	sor.u32 $0xD0000000, s2;
	s6 =	simm.s32 $0x108;
	_ =	swait.ge @!p0 [sflag:s8], $0x0  }
0x24: {  	s3 =	sadd.s32 $0x88, s3;
	s6 =	simm.s32 @!p1 $0x1082;
	[sflag:s4] =	ssyncset.s32 $0xFFFFF086  }
0x25: {  	[simem:s6], [sflag:s4] =	dma.local [hbm:s3], $0xF7A  }
0x26: {  	[smem:$0x3F99] =	sst s1;
	(tag) =	ssettag s2;
	_ =	strace s9  }
0x27: {  	s1 =	sld [smem:$0x3FA9]  }
0x28: {  	s2 =	sld [smem:$0x3FAA]  }
0x29: {  	s4 =	sld [smem:$0x3FAC]  }
0x2a: {  	p0 =	seq.s32 s5, $0x0;
	s5 =	sld [smem:$0x3FAD]  }
0x2b: {  	s6 =	sld [smem:$0x3FAE]  }
0x2c: {  	s7 =	sld [smem:$0x3FAF]  }
0x2d: {  	s3 =	simm.s32 $0x108;
	s8 =	sld [smem:$0x3FB0]  }
0x2e: {  	s3 =	simm.s32 @!p0 $0x1082;
	s9 =	sld [smem:$0x3FB1]  }
0x2f: {  	lr =	sadd.s32 s0, s3;
	s0 =	sld [smem:$0x3FA8]  }
0x30: {  	s3 =	sld [smem:$0x3FAB]  }
0x31: {  	[smem:$0x3FB4] =	sst s10  }
0x32: {  	s10 =	sld [smem:$0x3FB2];
	_ =	sdelay $0x3  }
0x33: {  	p0 =	seq.s32 s10, $0x1;
	s10 =	sld [smem:$0x3FB4];
	_ =	sdelay $0x3  }
0x34: {  	[smem:$0x3FB4] =	sst s10  }
0x35: {  	s10 =	sld [smem:$0x3FB3];
	_ =	sdelay $0x3  }
0x36: {  	p1 =	seq.s32 s10, $0x1;
	s10 =	sld [smem:$0x3FB4];
	_ =	sdelay $0x3  }
0x37: {  	[smem:$0x3FB4] =	sst s10  }
0x38: {  	s10 =	sld [smem:$0x3FB5]  }
0x39: {  	_ = 	snop;
	(pc) =	sbr.ind lr, $3  }
0x3a: {  	_ = 	snop  }
0x3b: {  	_ = 	snop  }
0x3c: {  	p2 =	seq.s32 s10, $0x1;
	s10 =	sld [smem:$0x3FB4]  }
0x3d: {  	_ =	shalt  }
0x3e: {  	_ =	shalt  }
0x3f: {  	_ =	shalt  }
0x40: {  	_ =	shalt  }
0x41: {  	_ =	shalt  }
0x42: {  	_ =	shalt  }
0x43: {  	_ =	shalt  }
0x44: {  	_ =	shalt  }
0x45: {  	_ =	shalt  }
0x46: {  	_ =	shalt  }
0x47: {  	_ =	shalt  }
0x48: {  	_ =	shalt  }
0x49: {  	_ =	shalt  }
0x4a: {  	_ =	shalt  }
0x4b: {  	_ =	shalt  }
0x4c: {  	_ =	shalt  }
0x4d: {  	_ =	shalt  }
0x4e: {  	_ =	shalt  }
0x4f: {  	_ =	shalt  }
0x50: {  	_ =	shalt  }
0x51: {  	_ =	shalt  }
0x52: {  	_ =	shalt  }
0x53: {  	_ =	shalt  }
0x54: {  	_ =	shalt  }
0x55: {  	_ =	shalt  }
0x56: {  	_ =	shalt  }
0x57: {  	_ =	shalt  }
0x58: {  	_ =	shalt  }
0x59: {  	_ =	shalt  }
0x5a: {  	_ =	shalt  }
0x5b: {  	_ =	shalt  }
0x5c: {  	_ =	shalt  }
0x5d: {  	_ =	shalt  }
0x5e: {  	_ =	shalt  }
0x5f: {  	_ =	shalt  }
0x60: {  	_ =	shalt  }
0x61: {  	_ =	shalt  }
0x62: {  	_ =	shalt  }
0x63: {  	_ =	shalt  }
0x64: {  	_ =	shalt  }
0x65: {  	_ =	shalt  }
0x66: {  	_ =	shalt  }
0x67: {  	_ =	shalt  }
0x68: {  	_ =	shalt  }
0x69: {  	_ =	shalt  }
0x6a: {  	_ =	shalt  }
0x6b: {  	_ =	shalt  }
0x6c: {  	_ =	shalt  }
0x6d: {  	_ =	shalt  }
0x6e: {  	_ =	shalt  }
0x6f: {  	_ =	shalt  }
0x70: {  	_ =	shalt  }
0x71: {  	_ =	shalt  }
0x72: {  	_ =	shalt  }
0x73: {  	_ =	shalt  }
0x74: {  	_ =	shalt  }
0x75: {  	_ =	shalt  }
0x76: {  	_ =	shalt  }
0x77: {  	_ =	shalt  }
0x78: {  	_ =	shalt  }
0x79: {  	_ =	shalt  }
0x7a: {  	_ =	shalt  }
0x7b: {  	_ =	shalt  }
0x7c: {  	_ =	shalt  }
0x7d: {  	_ =	shalt  }
0x7e: {  	_ =	shalt  }
0x7f: {  	_ =	shalt  }
0x80: {  	_ =	shalt  }
0x81: {  	_ =	shalt  }
0x82: {  	_ =	shalt  }
0x83: {  	_ =	shalt  }
0x84: {  	_ =	shalt  }
0x85: {  	_ =	shalt  }
0x86: {  	_ =	shalt  }
0x87: {  	_ =	shalt  }
.Lfunc_end0:
.L_simem_size_0:
called_computation_lowered:
.L_overlay_start_0:
0x88: {  	s2 =	sld [smem:$0x3FD9]  }
0x89: {  	s3 =	sld [smem:$0x3FFE];
	_ =	sdelay $0x1  }
0x8a: {  	s1 =	srdreg.scid  }
0x8b: {  	s0 =	sand.u32 $0x1, s1  }
0x8c: {  	s17 =	sshll.u32 s0, $0xA;
	s2 =	sadd.s32 s3, s2  }
0x8d: {  	s2 =	sadd.s32 s2, s17  }
0x8e: {  	[smem:$0x3FC0] =	sst s2  }
0x8f: {  	_ = 	snop  }
0x90: {  	s2 =	sld [smem:$0x3FD0];
	(tm) =	ssettm $0x1  }
0x91: {  	s18 =	sld [smem:$0x3FFB];
	_ =	sdelay $0x3  }
0x92: {  	_ =	strace s18  }
0x93: {  	s3 =	sld [smem:$0x3FFC];
	_ =	sdelay $0x3  }
0x94: {  	_ =	strace s3  }
0x95: {  	s3 =	sld [smem:$0x3FFD];
	_ =	sdelay $0x3  }
0x96: {  	_ =	strace s3  }
0x97: {  	_ =	strace $0x8FFFFFFF  }
0x98: {  	s19 =	sld [smem:$0x3FDB];
	_ =	sdelay $0x1  }
0x99: {  	s4 =	simm.s32 $_scs_section_size  }
0x9a: {  	s5 =	simm.s32 $_size__tile_overlayer_lowered;
	s6 =	simm.s32 $_tile_overlayer_lowered  }
0x9b: {  	s22 =	simm.s32 $0x1BFF;
	s21 =	sshll.u32 s6, $0x1;
	s3 =	sadd.s32 s4, s19  }
0x9c: {  	s7 =	simm.s32 $0x0;
	s20 =	sshll.u32 s5, $0x1;
	s5 =	sadd.s32 s21, s3  }
0x9d: {  	[timem:s7], [sflag:s22] =	dma.local [hbm:s5], s20  }
0x9e: {  	_ =	swait.ge [sflag:s22], s20  }
0x9f: {  	s4 =	ssub.s32 $0x0, s20;
	[sflag:s22] =	ssyncset.done $0x0  }
0xa0: {  	[sflag:s22] =	ssyncadd.s32 s4;
	_ =	sdelay $0x1  }
0xa1: {  	s23 =	simm.s32 $0x1B8B  }
0xa2: {  	_ =	swait.ge [sflag:s23], $0x1  }
0xa3: {  	[sflag:s23] =	ssyncset.done $0x0  }
0xa4: {  	s25 =	simm.s32 $0x1B8E;
	s24 =	sld [smem:$0x3FFE];
	[sflag:s23] =	ssyncadd.s32 $0xFFFFFFFF  }
0xa5: {  	s26 =	simm.s32 $execute0_lowered;
	[smem:$0x3FD2] =	sst s25  }
0xa6: {  	s5 =	sshll.u32 s26, $0x1;
	_ =	strace $0x80000046;
	[dreg:$0x1] =	wrdreg $0xFFFFFFFF  }
0xa7: {  	s28 =	simm.s32 $_size_execute0_lowered;
	s3 =	sadd.s32 s3, s5;
	[dreg:$0x0] =	wrdreg $0x0  }
0xa8: {  	s5 =	sshll.u32 s28, $0x1;
	[dreg:$0x2] =	wrdreg s3  }
0xa9: {  	[dreg:$0x3] =	wrdreg s5  }
0xaa: {  	[dreg:$0x4] =	wrdreg $0xC0  }
0xab: {  	_ =	task [dreg:s7], $0x5FFFF  }
0xac: {  	[dreg:$0x1] =	wrdreg $0xFFFFFFFF  }
0xad: {  	[dreg:$0x0] =	wrdreg $0x60  }
0xae: {  	[dreg:$0x2] =	wrdreg s2  }
0xaf: {  	[dreg:$0x3] =	wrdreg s24  }
0xb0: {  	[dreg:$0x4] =	wrdreg $0x2B000  }
0xb1: {  	[dreg:$0x5] =	wrdreg $0x9  }
0xb2: {  	_ =	task.clear_ibuf [dreg:s7], $0x6FFFF;
	_ =	strace $0x90000046  }
0xb3: {  	s29 =	simm.s32 $0x9;
	_ =	strace $0x80000048  }
0xb4: {  	_ =	swait.ge [sflag:s29], $0x1  }
0xb5: {  	[sflag:s29] =	ssyncadd.s32 $0xFFFFFFFF  }
0xb6: {  	_ =	strace $0x90000048  }
0xb7: {  	_ =	sfence  }
0xb8: {  	s30 =	sld [smem:$0x0];
	_ =	sdelay $0x2  }
0xb9: {  	s31 =	sshll.u32 s1, $0xD;
	s1 =	sshrl.u32 s1, $0x2  }
0xba: {  	s3 =	sand.u32 $0x4000, s31;
	s1 =	sadd.s32 s1, s30  }
0xbb: {  	s0 =	sor.u32 s3, s0;
	s1 =	sshll.u32 s1, $0x11  }
0xbc: {  	s0 =	sor.u32 s1, s0  }
0xbd: {  	s0 =	sadd.s32 $0x8F2B, s0  }
0xbe: {  	[sflag:s0] =	ssyncadd.remote.s32 $0x1  }
0xbf: {  	_ =	sfence.sel $0xFFFF  }
0xc0: {  	[dreg:$0x0] =	wrdreg $0xFFFFFFFF;
	(pc) =	sbr.abs _section_cstart, $3  }
0xc1: {  	[dreg:$0x1] =	wrdreg $0xFFFFFFFF  }
0xc2: {  	_ =	task.clear_ibuf [dreg:s7], $0x2FFFF;
	_ =	strace $0x9FFFFFFF  }
0xc3: {  	(tm) =	ssettm $0x7FFFFFFF  }
tec
execute0_lowered:
.L_overlay_start_1:
0x0: {  	(tag) =	ssettag $0x1  }
0x1: {  	s4 =	rddreg [dreg:$0x0]  }
0x2: {  	s3 =	rddreg [dreg:$0x1]  }
0x3: {  	s1 =	rddreg [dreg:$0x2]  }
0x4: {  	s0 =	rddreg [dreg:$0x3];
	s2 =	simm.s32 $0x0  }
0x5: {  	s5 =	srdreg.scid;
	s11 =	stileid.u32;
	s10 =	simm.s32 $0x2800  }
0x6: {  	s13 =	simm.s32 $0x0;
	[smem:$0x7FF] =	sst s2;
	s5 =	sand.u32 $0x1, s5  }
0x7: {  	s6 =	sshll.u32 s11, $0x1;
	s8 =	smul.u32 $0xA00, s11;
	p0 =	sne.s32 s11, $0x0  }
0x8: {  	s11 =	simm.s32 $0x1;
	_ =	strace $0x80000047;
	s7 =	ssub.s32 $0x2, s5  }
0x9: {  	s6 =	sor.u32 s5, s6;
	s5 =	sshll.u32 s5, $0x4;
	s12 =	sshrl.u32 @!p0 s1, $0x3  }
0xa: {  	s9 =	sshrl.u32 s7, $0x1;
	s6 =	smul.u32 $0x500, s6;
	s5 =	sadd.s32 s5, s3  }
0xb: {  	s31 =	sshrl.u32 s8, $0x2;
	s8 =	simm.s32 $0x2;
	s7 =	ssub.s32 s7, s9  }
0xc: {  	s3 =	sadd.s32 s31, s1;
	s5 =	sadd.s32 $0xC200, s5;
	s9 =	simm.s32 $0x80  }
0xd: {  	v0 =	vimm.f32 $0.0e+00;
	v1 =	vimm.f32 $1.000000000e+00;
	s4 =	sadd.s32 s4, s6;
	s6 =	smax.u32 s7, $0x1;
	s7 =	simm.s32 $0x2880  }
.LBB2_1:
0xe: {  	[tilespmem:$0x2880] =	vst v0  }
0xf: {  	[tilespmem:$0x2890] =	vst v0  }
0x10: {  	[tilespmem:$0x28A0] =	vst v0  }
0x11: {  	[tilespmem:$0x28B0] =	vst v0  }
0x12: {  	[tilespmem:$0x28C0] =	vst v0  }
0x13: {  	[tilespmem:$0x28D0] =	vst v0  }
0x14: {  	[tilespmem:$0x28E0] =	vst v0  }
0x15: {  	[tilespmem:$0x28F0] =	vst v0  }
0x16: {  	[tilespmem:$0x2900] =	vst v0  }
0x17: {  	[tilespmem:$0x2910] =	vst v0  }
0x18: {  	[tilespmem:$0x2920] =	vst v0  }
0x19: {  	[tilespmem:$0x2930] =	vst v0  }
0x1a: {  	[tilespmem:$0x2940] =	vst v0  }
0x1b: {  	[tilespmem:$0x2950] =	vst v0  }
0x1c: {  	[tilespmem:$0x2960] =	vst v0  }
0x1d: {  	[tilespmem:$0x2970] =	vst v0  }
0x1e: {  	[tilespmem:$0x2980] =	vst v0  }
0x1f: {  	[tilespmem:$0x2990] =	vst v0  }
0x20: {  	[tilespmem:$0x29A0] =	vst v0  }
0x21: {  	[tilespmem:$0x29B0] =	vst v0  }
0x22: {  	[tilespmem:$0x29C0] =	vst v0  }
0x23: {  	[tilespmem:$0x29D0] =	vst v0  }
0x24: {  	[tilespmem:$0x29E0] =	vst v0  }
0x25: {  	[tilespmem:$0x29F0] =	vst v0  }
0x26: {  	[tilespmem:$0x2A00] =	vst v0  }
0x27: {  	[tilespmem:$0x2A10] =	vst v0  }
0x28: {  	[tilespmem:$0x2A20] =	vst v0  }
0x29: {  	[tilespmem:$0x2A30] =	vst v0  }
0x2a: {  	[tilespmem:$0x2A40] =	vst v0  }
0x2b: {  	[tilespmem:$0x2A50] =	vst v0  }
0x2c: {  	[tilespmem:$0x2A60] =	vst v0  }
0x2d: {  	[tilespmem:$0x2A70] =	vst v0  }
0x2e: {  	[tilespmem:$0x2A80] =	vst v0  }
0x2f: {  	[tilespmem:$0x2A90] =	vst v0  }
0x30: {  	[tilespmem:$0x2AA0] =	vst v0  }
0x31: {  	[tilespmem:$0x2AB0] =	vst v0  }
0x32: {  	[tilespmem:$0x2AC0] =	vst v0  }
0x33: {  	[tilespmem:$0x2AD0] =	vst v0  }
0x34: {  	[tilespmem:$0x2AE0] =	vst v0  }
0x35: {  	[tilespmem:$0x2AF0] =	vst v0  }
0x36: {  	[tilespmem:$0x2800] =	vst v1  }
0x37: {  	[tilespmem:$0x2810] =	vst v1  }
0x38: {  	[tilespmem:$0x2820] =	vst v1  }
0x39: {  	[tilespmem:$0x2830] =	vst v1  }
0x3a: {  	[tilespmem:$0x2840] =	vst v1  }
0x3b: {  	[tilespmem:$0x2850] =	vst v1  }
0x3c: {  	[tilespmem:$0x2860] =	vst v1  }
0x3d: {  	[tilespmem:$0x2870] =	vst v1  }
0x3e: {  	[spmem:s3] =	stream.linear.scatter [tilespmem:s7], [sflag:$0x2], $0x280, $0x38;
	[tilespmem:$0x2D80] =	vst v63  }
0x3f: {  	_ =	swait.ge [sflag:s8], $0x280  }
0x40: {  	[sflag:s8] =	ssyncset.done $0x0  }
0x41: {  	[sflag:s8] =	ssyncadd.s32 $0xFFFFFD80  }
0x42: {  	[tilespmem:s2], [sflag:$0x2] =	stream.linear.gather [hbm4b:s4+s2], $0x2800, $0x38;
	[tilespmem:$0x2D80] =	vst v63  }
0x43: {  	_ =	swait.ge [sflag:s8], $0x2800  }
0x44: {  	[sflag:s8] =	ssyncset.done $0x0  }
0x45: {  	[sflag:s8] =	ssyncadd.s32 $0xFFFFD800  }
0x46: {  	s14 =	simm.s32 $0x0;
	[bflag:$0x0] =	sbarrier.arrive $0xFFFF  }
0x47: {  	[spmem:s1] =	stream.indirect.scatter.add.f32 [tilespmem:s10], [sflag:$0x1], $0x1, s14, s9, $0xb8;
	[tilespmem:$0x2D80] =	vst v63  }
0x48: {  	s24 =	simm.s32 $0x80  }
0x49: {  	[spmem:s1] =	stream.indirect.scatter.add.f32 [tilespmem:s10], [sflag:$0x1], $0x1, s24, s9, $0xb8;
	[tilespmem:$0x2D80] =	vst v63  }
0x4a: {  	s25 =	simm.s32 $0x100  }
0x4b: {  	[spmem:s1] =	stream.indirect.scatter.add.f32 [tilespmem:s10], [sflag:$0x1], $0x1, s25, s9, $0xb8;
	[tilespmem:$0x2D80] =	vst v63  }
0x4c: {  	s26 =	simm.s32 $0x180  }
0x4d: {  	[spmem:s1] =	stream.indirect.scatter.add.f32 [tilespmem:s10], [sflag:$0x1], $0x1, s26, s9, $0xb8;
	[tilespmem:$0x2D80] =	vst v63  }
0x4e: {  	s28 =	simm.s32 $0x200  }
0x4f: {  	[spmem:s1] =	stream.indirect.scatter.add.f32 [tilespmem:s10], [sflag:$0x1], $0x1, s28, s9, $0xb8;
	[tilespmem:$0x2D80] =	vst v63  }
0x50: {  	s29 =	simm.s32 $0x280  }
0x51: {  	[spmem:s1] =	stream.indirect.scatter.add.f32 [tilespmem:s10], [sflag:$0x1], $0x1, s29, s9, $0xb8;
	[tilespmem:$0x2D80] =	vst v63  }
0x52: {  	s30 =	simm.s32 $0x300  }
0x53: {  	[spmem:s1] =	stream.indirect.scatter.add.f32 [tilespmem:s10], [sflag:$0x1], $0x1, s30, s9, $0xb8;
	[tilespmem:$0x2D80] =	vst v63  }
0x54: {  	s31 =	simm.s32 $0x380  }
0x55: {  	[spmem:s1] =	stream.indirect.scatter.add.f32 [tilespmem:s10], [sflag:$0x1], $0x1, s31, s9, $0xb8;
	[tilespmem:$0x2D80] =	vst v63  }
0x56: {  	_ =	swait.ge [sflag:s11], $0x80  }
0x57: {  	[sflag:s11] =	ssyncset.done $0x0  }
0x58: {  	[sflag:s11] =	ssyncadd.s32 $0xFFFFFF80  }
0x59: {  	_ =	swait.ge [sflag:s11], $0x80  }
0x5a: {  	[sflag:s11] =	ssyncset.done $0x0  }
0x5b: {  	[sflag:s11] =	ssyncadd.s32 $0xFFFFFF80  }
0x5c: {  	_ =	swait.ge [sflag:s11], $0x80  }
0x5d: {  	[sflag:s11] =	ssyncset.done $0x0  }
0x5e: {  	[sflag:s11] =	ssyncadd.s32 $0xFFFFFF80  }
0x5f: {  	_ =	swait.ge [sflag:s11], $0x80  }
0x60: {  	[sflag:s11] =	ssyncset.done $0x0  }
0x61: {  	[sflag:s11] =	ssyncadd.s32 $0xFFFFFF80  }
0x62: {  	_ =	swait.ge [sflag:s11], $0x80  }
0x63: {  	[sflag:s11] =	ssyncset.done $0x0  }
0x64: {  	[sflag:s11] =	ssyncadd.s32 $0xFFFFFF80  }
0x65: {  	_ =	swait.ge [sflag:s11], $0x80  }
0x66: {  	[sflag:s11] =	ssyncset.done $0x0  }
0x67: {  	[sflag:s11] =	ssyncadd.s32 $0xFFFFFF80  }
0x68: {  	_ =	swait.ge [sflag:s11], $0x80  }
0x69: {  	[sflag:s11] =	ssyncset.done $0x0  }
0x6a: {  	[sflag:s11] =	ssyncadd.s32 $0xFFFFFF80  }
0x6b: {  	_ =	swait.ge [sflag:s11], $0x80  }
0x6c: {  	s16 =	simm.s32 $0x2000;
	s14 =	simm.s32 $0x1000;
	[sflag:s11] =	ssyncset.done $0x0  }
.LBB2_2:
0x6d: {  	s17 =	sshra.s32 s14, $0x2  }
0x6e: {  	[sflag:s11] =	ssyncadd.s32 $0xFFFFFF80;
	s14 =	smov.u32 s16;
	s15 =	sadd.s32 $0x1000, s16  }
0x6f: {  	[spmem:s1] =	stream.indirect.scatter.add.f32 [tilespmem:s10], [sflag:$0x1], $0x1, s17, s9, $0xb8;
	[tilespmem:$0x2D80] =	vst v63  }
0x70: {  	p1 =	sne.s32 s16, $0x9000;
	s16 =	sadd.s32 $0x80, s17  }
0x71: {  	[spmem:s1] =	stream.indirect.scatter.add.f32 [tilespmem:s10], [sflag:$0x1], $0x1, s16, s9, $0xb8;
	[tilespmem:$0x2D80] =	vst v63  }
0x72: {  	s16 =	sadd.s32 $0x100, s17  }
0x73: {  	[spmem:s1] =	stream.indirect.scatter.add.f32 [tilespmem:s10], [sflag:$0x1], $0x1, s16, s9, $0xb8;
	[tilespmem:$0x2D80] =	vst v63  }
0x74: {  	s16 =	sadd.s32 $0x180, s17  }
0x75: {  	[spmem:s1] =	stream.indirect.scatter.add.f32 [tilespmem:s10], [sflag:$0x1], $0x1, s16, s9, $0xb8;
	[tilespmem:$0x2D80] =	vst v63  }
0x76: {  	s16 =	sadd.s32 $0x200, s17  }
0x77: {  	[spmem:s1] =	stream.indirect.scatter.add.f32 [tilespmem:s10], [sflag:$0x1], $0x1, s16, s9, $0xb8;
	[tilespmem:$0x2D80] =	vst v63  }
0x78: {  	s16 =	sadd.s32 $0x280, s17  }
0x79: {  	[spmem:s1] =	stream.indirect.scatter.add.f32 [tilespmem:s10], [sflag:$0x1], $0x1, s16, s9, $0xb8;
	[tilespmem:$0x2D80] =	vst v63  }
0x7a: {  	s16 =	sadd.s32 $0x300, s17  }
0x7b: {  	[spmem:s1] =	stream.indirect.scatter.add.f32 [tilespmem:s10], [sflag:$0x1], $0x1, s16, s9, $0xb8;
	[tilespmem:$0x2D80] =	vst v63  }
0x7c: {  	s16 =	sadd.s32 $0x380, s17  }
0x7d: {  	[spmem:s1] =	stream.indirect.scatter.add.f32 [tilespmem:s10], [sflag:$0x1], $0x1, s16, s9, $0xb8;
	[tilespmem:$0x2D80] =	vst v63  }
0x7e: {  	_ =	swait.ge [sflag:s11], $0x80  }
0x7f: {  	[sflag:s11] =	ssyncset.done $0x0  }
0x80: {  	[sflag:s11] =	ssyncadd.s32 $0xFFFFFF80  }
0x81: {  	_ =	swait.ge [sflag:s11], $0x80  }
0x82: {  	[sflag:s11] =	ssyncset.done $0x0  }
0x83: {  	[sflag:s11] =	ssyncadd.s32 $0xFFFFFF80  }
0x84: {  	_ =	swait.ge [sflag:s11], $0x80  }
0x85: {  	[sflag:s11] =	ssyncset.done $0x0  }
0x86: {  	[sflag:s11] =	ssyncadd.s32 $0xFFFFFF80  }
0x87: {  	_ =	swait.ge [sflag:s11], $0x80  }
0x88: {  	[sflag:s11] =	ssyncset.done $0x0  }
0x89: {  	[sflag:s11] =	ssyncadd.s32 $0xFFFFFF80  }
0x8a: {  	_ =	swait.ge [sflag:s11], $0x80  }
0x8b: {  	[sflag:s11] =	ssyncset.done $0x0  }
0x8c: {  	[sflag:s11] =	ssyncadd.s32 $0xFFFFFF80  }
0x8d: {  	_ =	swait.ge [sflag:s11], $0x80  }
0x8e: {  	[sflag:s11] =	ssyncset.done $0x0  }
0x8f: {  	[sflag:s11] =	ssyncadd.s32 $0xFFFFFF80  }
.Ltmp0:
0x90: {  	_ =	swait.ge [sflag:s11], $0x80;
	(pc) =	sbr.rel @p1 .LBB2_2-.Ltmp0, $4  }
0x91: {  	[sflag:s11] =	ssyncset.done $0x0  }
0x92: {  	[sflag:s11] =	ssyncadd.s32 $0xFFFFFF80  }
0x93: {  	_ =	swait.ge [sflag:s11], $0x80  }
0x94: {  	s16 =	smov.u32 s15;
	[sflag:s11] =	ssyncset.done $0x0  }
0x95: {  	s14 =	sshra.s32 s14, $0x2;
	[sflag:s11] =	ssyncadd.s32 $0xFFFFFF80  }
0x96: {  	[spmem:s1] =	stream.indirect.scatter.add.f32 [tilespmem:s10], [sflag:$0x1], $0x1, s14, s9, $0xb8;
	[tilespmem:$0x2D80] =	vst v63  }
0x97: {  	s15 =	sadd.s32 $0x80, s14  }
0x98: {  	[spmem:s1] =	stream.indirect.scatter.add.f32 [tilespmem:s10], [sflag:$0x1], $0x1, s15, s9, $0xb8;
	[tilespmem:$0x2D80] =	vst v63  }
0x99: {  	s26 =	sadd.s32 $0x100, s14  }
0x9a: {  	[spmem:s1] =	stream.indirect.scatter.add.f32 [tilespmem:s10], [sflag:$0x1], $0x1, s26, s9, $0xb8;
	[tilespmem:$0x2D80] =	vst v63  }
0x9b: {  	s28 =	sadd.s32 $0x180, s14  }
0x9c: {  	[spmem:s1] =	stream.indirect.scatter.add.f32 [tilespmem:s10], [sflag:$0x1], $0x1, s28, s9, $0xb8;
	[tilespmem:$0x2D80] =	vst v63  }
0x9d: {  	s29 =	sadd.s32 $0x200, s14  }
0x9e: {  	[spmem:s1] =	stream.indirect.scatter.add.f32 [tilespmem:s10], [sflag:$0x1], $0x1, s29, s9, $0xb8;
	[tilespmem:$0x2D80] =	vst v63  }
0x9f: {  	s30 =	sadd.s32 $0x280, s14  }
0xa0: {  	[spmem:s1] =	stream.indirect.scatter.add.f32 [tilespmem:s10], [sflag:$0x1], $0x1, s30, s9, $0xb8;
	[tilespmem:$0x2D80] =	vst v63  }
0xa1: {  	s31 =	sadd.s32 $0x300, s14  }
0xa2: {  	[spmem:s1] =	stream.indirect.scatter.add.f32 [tilespmem:s10], [sflag:$0x1], $0x1, s31, s9, $0xb8;
	[tilespmem:$0x2D80] =	vst v63  }
0xa3: {  	s14 =	sadd.s32 $0x380, s14  }
0xa4: {  	[spmem:s1] =	stream.indirect.scatter.add.f32 [tilespmem:s10], [sflag:$0x1], $0x1, s14, s9, $0xb8;
	[tilespmem:$0x2D80] =	vst v63  }
0xa5: {  	_ =	swait.ge [sflag:s11], $0x80  }
0xa6: {  	[sflag:s11] =	ssyncset.done $0x0  }
0xa7: {  	[sflag:s11] =	ssyncadd.s32 $0xFFFFFF80  }
0xa8: {  	_ =	swait.ge [sflag:s11], $0x80  }
0xa9: {  	[sflag:s11] =	ssyncset.done $0x0  }
0xaa: {  	[sflag:s11] =	ssyncadd.s32 $0xFFFFFF80  }
0xab: {  	_ =	swait.ge [sflag:s11], $0x80  }
0xac: {  	[sflag:s11] =	ssyncset.done $0x0  }
0xad: {  	[sflag:s11] =	ssyncadd.s32 $0xFFFFFF80  }
0xae: {  	_ =	swait.ge [sflag:s11], $0x80  }
0xaf: {  	[sflag:s11] =	ssyncset.done $0x0  }
0xb0: {  	[sflag:s11] =	ssyncadd.s32 $0xFFFFFF80  }
0xb1: {  	_ =	swait.ge [sflag:s11], $0x80  }
0xb2: {  	[sflag:s11] =	ssyncset.done $0x0  }
0xb3: {  	[sflag:s11] =	ssyncadd.s32 $0xFFFFFF80  }
0xb4: {  	_ =	swait.ge [sflag:s11], $0x80  }
0xb5: {  	[sflag:s11] =	ssyncset.done $0x0  }
0xb6: {  	[sflag:s11] =	ssyncadd.s32 $0xFFFFFF80  }
0xb7: {  	_ =	swait.ge [sflag:s11], $0x80  }
0xb8: {  	[sflag:s11] =	ssyncset.done $0x0  }
0xb9: {  	[sflag:s11] =	ssyncadd.s32 $0xFFFFFF80  }
0xba: {  	_ =	swait.ge [sflag:s11], $0x80  }
0xbb: {  	s16 =	simm.s32 @!p0 $0x10;
	s13 =	sadd.s32 $0x1, s13;
	[sflag:s11] =	ssyncset.done $0x0  }
0xbc: {  	s17 =	simm.s32 @!p0 $0x1C02;
	p1 =	sne.s32 s13, s6;
	[sflag:s11] =	ssyncadd.s32 $0xFFFFFF80  }
0xbd: {  	s15 =	simm.s32 @!p0 $0x20;
	s14 =	simm.s32 @!p0 $0x1;
	[bflag:$0x0] =	sbarrier.arrive $0xFFFF  }
0xbe: {  	[hbm:s5@s15], [sflag:s17] =	dma.strided @!p0 [spmem:s12@s16], $0x500, s14, $0x10   }
.Ltmp1:
0xbf: {  	_ = 	snop;
	(pc) =	sbr.rel @p1 .LBB2_1-.Ltmp1, $4  }
0xc0: {  	s14 =	simm.s32 @!p0 $0x2  }
0xc1: {  	_ =	swait.ge @!p0 [sflag:s14], $0x500  }
0xc2: {  	[sflag:s14] =	ssyncset.done @!p0 $0x0  }
0xc3: {  	[sflag:s14] =	ssyncadd.s32 @!p0 $0xFFFFFB00  }
0xc4: {  	_ =	sfence.sel $0x180000  }
0xc5: {  	[bflag:$0x0] =	sbarrier.arrive $0xFFFF  }
0xc6: {  	_ =	strace $0x90000047  }
0xc7: {  	s0 =	sadd.s32 @!p0 $0x100000, s0;
	[bflag:$0x2] =	sbarrier.arrive $0xFFFF  }
0xc8: {  	[sflag:s0] =	ssyncadd.tile.s32 @!p0 $0x1;
	_ =	shalt  }
.Lfunc_end2:
_tile_overlayer_lowered:
.L_overlay_start_2:
0xc9: {  	(tag) =	ssettag $0x2  }
0xca: {  	s0 =	rddreg [dreg:$0x0];
	s2 =	stileid.u32  }
0xcb: {  	s1 =	rddreg [dreg:$0x1];
	p0 =	sne.s32 s2, $0x0  }
0xcc: {  	s3 =	rddreg [dreg:$0x2];
	[bflag:$0x3] =	sbarrier.arrive $0xFFFF;
	s2 =	simm.s32 @!p0 $0x1C02  }
0xcd: {  	[timem:s3], [sflag:s2] =	dma.local @!p0 [hbm:s0], s1  }
0xce: {  	s0 =	simm.s32 @!p0 $0x2  }
0xcf: {  	_ =	swait.ge @!p0 [sflag:s0], s1  }
0xd0: {  	s1 =	ssub.s32 @!p0 $0x0, s1;
	[sflag:s0] =	ssyncset.done @!p0 $0x0  }
0xd1: {  	[sflag:s0] =	ssyncadd.s32 @!p0 s1  }
0xd2: {  	[bflag:$0x3] =	sbarrier.arrive $0xFFFF  }
0xd3: {  	_ =	shalt  }

</sc_bundles>
